<compile_context>
chip_gen: v7x
topology: tpu7x:2x2x1
jax: 0.10.2.dev20260603
libtpu: 0.0.44.dev20260713+nightly
codegen_flags: <defaults>
</compile_context>

<pallas_src>
import functools

import jax
import jax.numpy as jnp
from jax import lax
from jax.experimental import pallas as pl
from jax.experimental.pallas import tpu as pltpu
from jax.experimental.pallas import tpu_sc as plsc

EMB = 64
NC, NS = 2, 16
NW = NC * NS
CH = 128


def _sc_body(L, nch, q_idx3, d_idx3, q_table, d_table, q_out, d_out,
             q_idx_v, d_idx_v, q_acc, d_acc, q_sem, d_sem):
    wid = lax.axis_index("s") * NC + lax.axis_index("c")
    bpw = nch * CH
    base_ch = wid * nch

    pltpu.sync_copy(q_idx3.at[:, pl.ds(base_ch, nch), :], q_idx_v)
    pltpu.sync_copy(d_idx3.at[:, pl.ds(base_ch, nch), :], d_idx_v)

    def fire(table, idx_v, acc, sem, l, add):
        for c in range(nch):
            pltpu.async_copy(
                table.at[idx_v.at[l, c]],
                acc.at[pl.ds(c * CH, CH), :], sem, add=add)

    def drain(table, idx_v, acc, sem):
        for c in range(nch):
            pltpu.make_async_copy(
                table.at[idx_v.at[0, c]],
                acc.at[pl.ds(c * CH, CH), :], sem).wait()

    fire(q_table, q_idx_v, q_acc, q_sem, 0, False)
    fire(d_table, d_idx_v, d_acc, d_sem, 0, False)

    def step(l, _):
        drain(q_table, q_idx_v, q_acc, q_sem)
        fire(q_table, q_idx_v, q_acc, q_sem, l, True)
        drain(d_table, d_idx_v, d_acc, d_sem)
        fire(d_table, d_idx_v, d_acc, d_sem, l, True)
        return 0

    lax.fori_loop(1, L, step, 0)
    drain(q_table, q_idx_v, q_acc, q_sem)
    drain(d_table, d_idx_v, d_acc, d_sem)
    pltpu.sync_copy(q_acc, q_out.at[pl.ds(wid * bpw, bpw), :])
    pltpu.sync_copy(d_acc, d_out.at[pl.ds(wid * bpw, bpw), :])


def _sc_sum(q_idx3, d_idx3, q_table, d_table):
    L, nblk, _ = q_idx3.shape
    B = nblk * CH
    nch = nblk // NW
    mesh = plsc.VectorSubcoreMesh(
        core_axis_name="c", subcore_axis_name="s",
        num_cores=NC, num_subcores=NS)
    f = functools.partial(
        pl.kernel,
        functools.partial(_sc_body, L, nch),
        out_type=(jax.ShapeDtypeStruct((B, EMB), jnp.float32),
                  jax.ShapeDtypeStruct((B, EMB), jnp.float32)),
        mesh=mesh,
        compiler_params=pltpu.CompilerParams(use_tc_tiling_on_sc=False),
        scratch_types=[
            pltpu.VMEM((L, nch, CH), jnp.int32),
            pltpu.VMEM((L, nch, CH), jnp.int32),
            pltpu.VMEM((nch * CH, EMB), jnp.float32),
            pltpu.VMEM((nch * CH, EMB), jnp.float32),
            pltpu.SemaphoreType.DMA,
            pltpu.SemaphoreType.DMA,
        ],
    )()
    return f(q_idx3, d_idx3, q_table, d_table)


def _tc_body(qi_ref, di_ref, qs_ref, ds_ref, wq_ref, bq_ref, wd_ref, bd_ref,
             qo_ref, do_ref):
    def tower(i_ref, s_ref, w_ref, b_ref, o_ref):
        cnt = jnp.sum((i_ref[...] != 0).astype(jnp.float32), axis=1,
                      keepdims=True)
        avg = s_ref[...] / jnp.maximum(cnt, 1e-9)
        out = jax.lax.dot_general(
            avg, w_ref[...], (((1,), (0,)), ((), ())),
            precision=jax.lax.Precision.HIGHEST,
            preferred_element_type=jnp.float32) + b_ref[...]
        n = jnp.sqrt(jnp.sum(out * out, axis=1, keepdims=True))
        o_ref[...] = out / jnp.maximum(n, 1e-12)

    tower(qi_ref, qs_ref, wq_ref, bq_ref, qo_ref)
    tower(di_ref, ds_ref, wd_ref, bd_ref, do_ref)


def _tc_fc(qi, di, q_sum, d_sum, wqt, bq2, wdt, bd2):
    B, L = qi.shape
    blk = 2048
    grid = (B // blk,)
    row_spec = pl.BlockSpec((blk, L), lambda i: (i, 0))
    sum_spec = pl.BlockSpec((blk, EMB), lambda i: (i, 0))
    w_spec = pl.BlockSpec((EMB, EMB), lambda i: (0, 0))
    b_spec = pl.BlockSpec((1, EMB), lambda i: (0, 0))
    return pl.pallas_call(
        _tc_body,
        grid=grid,
        in_specs=[row_spec, row_spec, sum_spec, sum_spec,
                  w_spec, b_spec, w_spec, b_spec],
        out_specs=[sum_spec, sum_spec],
        out_shape=[jax.ShapeDtypeStruct((B, EMB), jnp.float32),
                   jax.ShapeDtypeStruct((B, EMB), jnp.float32)],
    )(qi, di, q_sum, d_sum, wqt, bq2, wdt, bd2)


def kernel(query_idxs, doc_idxs, query_table, doc_table, Wq, bq, Wd, bd):
    B, L = query_idxs.shape
    qi = query_idxs.astype(jnp.int32)
    di = doc_idxs.astype(jnp.int32)
    q_idx3 = qi.T.reshape(L, B // CH, CH)
    d_idx3 = di.T.reshape(L, B // CH, CH)
    q_sum, d_sum = _sc_sum(q_idx3, d_idx3, query_table, doc_table)
    q_norm, d_norm = _tc_fc(qi, di, q_sum, d_sum,
                            Wq.T, bq.reshape(1, -1), Wd.T, bd.reshape(1, -1))
    return (q_norm, d_norm)

# --- scband reference (transcript-rebuilt; emitter-appended) ---
"""Pipeline reference for scband-two-tower-model-57810259804314 (READ-ONLY COPY).

The authoritative reference and input builder live on the scoring server;
editing this copy changes nothing except your own understanding.
"""

import jax, jax.numpy as jnp
import numpy as np

VOCAB = 1000000
EMB = 64
B = 16384
L = 50

def setup_inputs(seed: int = 0) -> dict:
    key = jax.random.key(seed)
    k1, k2, k3, k4, k5, k6, k7, k8 = jax.random.split(key, 8)
    query_idxs = jax.random.randint(k1, (B, L), 0, VOCAB, dtype=jnp.int64 if jax.config.jax_enable_x64 else jnp.int32)
    doc_idxs = jax.random.randint(k2, (B, L), 0, VOCAB, dtype=jnp.int64 if jax.config.jax_enable_x64 else jnp.int32)
    query_table = jax.random.normal(k3, (VOCAB, EMB), dtype=jnp.float32)
    doc_table = jax.random.normal(k4, (VOCAB, EMB), dtype=jnp.float32)
    # padding_idx=0 -> zero row (torch nn.Embedding padding_idx semantics)
    query_table = query_table.at[0].set(0.0)
    doc_table = doc_table.at[0].set(0.0)
    Wq = jax.random.normal(k5, (64, EMB), dtype=jnp.float32) * (1.0 / np.sqrt(EMB))
    bq = jax.random.normal(k6, (64,), dtype=jnp.float32) * 0.01
    Wd = jax.random.normal(k7, (64, EMB), dtype=jnp.float32) * (1.0 / np.sqrt(EMB))
    bd = jax.random.normal(k8, (64,), dtype=jnp.float32) * 0.01
    return {"query_idxs": query_idxs, "doc_idxs": doc_idxs, "query_table": query_table, "doc_table": doc_table, "Wq": Wq, "bq": bq, "Wd": Wd, "bd": bd}

def _normalize(x, eps=1e-12):
    n = jnp.sqrt(jnp.sum(x * x, axis=1, keepdims=True))
    return x / jnp.maximum(n, eps)

def reference(query_idxs, doc_idxs, query_table, doc_table, Wq, bq, Wd, bd):
    q_emb = jnp.take(query_table, query_idxs, axis=0)
    d_emb = jnp.take(doc_table, doc_idxs, axis=0)
    q_mask = (query_idxs != 0)[..., None].astype(jnp.float32)
    d_mask = (doc_idxs != 0)[..., None].astype(jnp.float32)
    q_sum = (q_emb * q_mask).sum(axis=1)
    q_len = jnp.clip(q_mask.sum(axis=1), 1e-09, None)
    q_avg = q_sum / q_len
    d_sum = (d_emb * d_mask).sum(axis=1)
    d_len = jnp.clip(d_mask.sum(axis=1), 1e-09, None)
    d_avg = d_sum / d_len
    q_out = q_avg @ Wq.T + bq
    d_out = d_avg @ Wd.T + bd
    q_norm = _normalize(q_out)
    d_norm = _normalize(d_out)
    return (q_norm, d_norm)

if __name__ == "__main__":
    import jax
    _d = setup_inputs()
    print(jax.jit(kernel)(*tuple(_d.values())))

</pallas_src>

<mosaic_0001>
#map = affine_map<(d0, d1) -> (0, 0, 0)>
#map1 = affine_map<(d0, d1) -> (0, 0)>
module attributes {stable_mosaic.version = 14 : i64} {
  func.func @_sc_body(%arg0: i32, %arg1: i32, %arg2: memref<50x128x128xi32, #tpu.memory_space<hbm>>, %arg3: memref<50x128x128xi32, #tpu.memory_space<hbm>>, %arg4: memref<1000000x64xf32, #tpu.memory_space<hbm>>, %arg5: memref<1000000x64xf32, #tpu.memory_space<hbm>>, %arg6: memref<16384x64xf32, #tpu.memory_space<hbm>>, %arg7: memref<16384x64xf32, #tpu.memory_space<hbm>>, %arg8: memref<50x4x128xi32, #tpu.memory_space<vmem>>, %arg9: memref<50x4x128xi32, #tpu.memory_space<vmem>>, %arg10: memref<512x64xf32, #tpu.memory_space<vmem>>, %arg11: memref<512x64xf32, #tpu.memory_space<vmem>>, %arg12: memref<!tpu.dma_semaphore, #tpu.memory_space<semaphore_mem>>, %arg13: memref<!tpu.dma_semaphore, #tpu.memory_space<semaphore_mem>>) attributes {dimension_semantics = [#tpu.dimension_semantics<core_parallel>, #tpu.dimension_semantics<subcore_parallel>], iteration_bounds = array<i64: 2, 16>, scalar_prefetch = 0 : i64, scratch_operands = 6 : i64, tpu.core_type = #tpu.core_type<sc_vector_subcore>, window_params = [{transform_indices = #map}, {transform_indices = #map}, {transform_indices = #map1}, {transform_indices = #map1}, {transform_indices = #map1}, {transform_indices = #map1}]} {
    %mul3A = arith.constant 2 : i32
    %mul3A_0 = arith.muli %arg1, %mul3A : i32
    %add3A = arith.addi %mul3A_0, %arg0 : i32
    %mul3A_1 = arith.constant 4 : i32
    %mul3A_2 = arith.muli %add3A, %mul3A_1 : i32
    "tpu.region"() ({
      %run_scoped3A = tpu.sem_alloc : memref<!tpu.dma_semaphore, #tpu.memory_space<semaphore_mem>>
      %dma_start3A_187 = arith.constant 0 : i32
      %dma_start3A_188 = arith.constant 0 : i32
      %dma_start3A_189 = tpu.memref_slice %arg2[%dma_start3A_187, %mul3A_2, %dma_start3A_188] : memref<50x128x128xi32, #tpu.memory_space<hbm>> -> memref<50x4x128xi32, #tpu.memory_space<hbm>>
      %dma_start3A_190 = arith.constant 0 : i32
      %dma_start3A_191 = arith.constant 0 : i32
      %dma_start3A_192 = tpu.memref_slice %arg2[%dma_start3A_190, %mul3A_2, %dma_start3A_191] : memref<50x128x128xi32, #tpu.memory_space<hbm>> -> memref<50x4x128xi32, #tpu.memory_space<hbm>>
      tpu.enqueue_dma source(%dma_start3A_192 : memref<50x4x128xi32, #tpu.memory_space<hbm>>) target(%arg8 : memref<50x4x128xi32, #tpu.memory_space<vmem>>) target_semaphore(%run_scoped3A : memref<!tpu.dma_semaphore, #tpu.memory_space<semaphore_mem>>)
      %dma_wait3A_193 = arith.constant 0 : i32
      %dma_wait3A_194 = arith.constant 0 : i32
      %dma_wait3A_195 = tpu.memref_slice %arg2[%dma_wait3A_193, %mul3A_2, %dma_wait3A_194] : memref<50x128x128xi32, #tpu.memory_space<hbm>> -> memref<50x4x128xi32, #tpu.memory_space<hbm>>
      %dma_wait3A_196 = arith.constant 0 : i32
      %dma_wait3A_197 = arith.constant 0 : i32
      %dma_wait3A_198 = tpu.memref_slice %arg2[%dma_wait3A_196, %mul3A_2, %dma_wait3A_197] : memref<50x128x128xi32, #tpu.memory_space<hbm>> -> memref<50x4x128xi32, #tpu.memory_space<hbm>>
      tpu.wait_dma2 semaphore(%run_scoped3A : memref<!tpu.dma_semaphore, #tpu.memory_space<semaphore_mem>>) src(%dma_wait3A_198 : memref<50x4x128xi32, #tpu.memory_space<hbm>>) dst(%arg8 : memref<50x4x128xi32, #tpu.memory_space<vmem>>)
      tpu.yield
    }) : () -> ()
    "tpu.region"() ({
      %run_scoped3A = tpu.sem_alloc : memref<!tpu.dma_semaphore, #tpu.memory_space<semaphore_mem>>
      %dma_start3A_187 = arith.constant 0 : i32
      %dma_start3A_188 = arith.constant 0 : i32
      %dma_start3A_189 = tpu.memref_slice %arg3[%dma_start3A_187, %mul3A_2, %dma_start3A_188] : memref<50x128x128xi32, #tpu.memory_space<hbm>> -> memref<50x4x128xi32, #tpu.memory_space<hbm>>
      %dma_start3A_190 = arith.constant 0 : i32
      %dma_start3A_191 = arith.constant 0 : i32
      %dma_start3A_192 = tpu.memref_slice %arg3[%dma_start3A_190, %mul3A_2, %dma_start3A_191] : memref<50x128x128xi32, #tpu.memory_space<hbm>> -> memref<50x4x128xi32, #tpu.memory_space<hbm>>
      tpu.enqueue_dma source(%dma_start3A_192 : memref<50x4x128xi32, #tpu.memory_space<hbm>>) target(%arg9 : memref<50x4x128xi32, #tpu.memory_space<vmem>>) target_semaphore(%run_scoped3A : memref<!tpu.dma_semaphore, #tpu.memory_space<semaphore_mem>>)
      %dma_wait3A_193 = arith.constant 0 : i32
      %dma_wait3A_194 = arith.constant 0 : i32
      %dma_wait3A_195 = tpu.memref_slice %arg3[%dma_wait3A_193, %mul3A_2, %dma_wait3A_194] : memref<50x128x128xi32, #tpu.memory_space<hbm>> -> memref<50x4x128xi32, #tpu.memory_space<hbm>>
      %dma_wait3A_196 = arith.constant 0 : i32
      %dma_wait3A_197 = arith.constant 0 : i32
      %dma_wait3A_198 = tpu.memref_slice %arg3[%dma_wait3A_196, %mul3A_2, %dma_wait3A_197] : memref<50x128x128xi32, #tpu.memory_space<hbm>> -> memref<50x4x128xi32, #tpu.memory_space<hbm>>
      tpu.wait_dma2 semaphore(%run_scoped3A : memref<!tpu.dma_semaphore, #tpu.memory_space<semaphore_mem>>) src(%dma_wait3A_198 : memref<50x4x128xi32, #tpu.memory_space<hbm>>) dst(%arg9 : memref<50x4x128xi32, #tpu.memory_space<vmem>>)
      tpu.yield
    }) : () -> ()
    %dma_start3A = arith.constant 0 : i32
    %dma_start3A_3 = arith.constant 0 : i32
    %dma_start3A_4 = arith.constant 0 : i32
    %dma_start3A_5 = arith.constant 0 : i32
    %dma_start3A_6 = tpu.memref_slice %arg10[%dma_start3A_4, %dma_start3A_5] : memref<512x64xf32, #tpu.memory_space<vmem>> -> memref<128x64xf32, #tpu.memory_space<vmem>>
    %dma_start3A_7 = arith.constant 0 : i32
    %dma_start3A_8 = tpu.memref_slice %arg8[%dma_start3A, %dma_start3A_3, %dma_start3A_7] : memref<50x4x128xi32, #tpu.memory_space<vmem>> -> memref<1x1x128xi32, #tpu.memory_space<vmem>>
    %dma_start3A_9 = tpu.memref_squeeze %dma_start3A_8 : memref<1x1x128xi32, #tpu.memory_space<vmem>> -> memref<128xi32, #tpu.memory_space<vmem>>
    %dma_start3A_10 = arith.constant 0 : i32
    %dma_start3A_11 = arith.constant 0 : i32
    %dma_start3A_12 = tpu.memref_slice %arg4[%dma_start3A_10, %dma_start3A_11] : memref<1000000x64xf32, #tpu.memory_space<hbm>> -> memref<1000000x64xf32, #tpu.memory_space<hbm>>
    tpu.enqueue_indirect_dma source(%dma_start3A_12 : memref<1000000x64xf32, #tpu.memory_space<hbm>>) target(%dma_start3A_6 : memref<128x64xf32, #tpu.memory_space<vmem>>) offsets(%dma_start3A_9 : memref<128xi32, #tpu.memory_space<vmem>>) semaphore(%arg12 : memref<!tpu.dma_semaphore, #tpu.memory_space<semaphore_mem>>)
    %dma_start3A_13 = arith.constant 0 : i32
    %dma_start3A_14 = arith.constant 1 : i32
    %dma_start3A_15 = arith.constant 128 : i32
    %dma_start3A_16 = arith.constant 0 : i32
    %dma_start3A_17 = tpu.memref_slice %arg10[%dma_start3A_15, %dma_start3A_16] : memref<512x64xf32, #tpu.memory_space<vmem>> -> memref<128x64xf32, #tpu.memory_space<vmem>>
    %dma_start3A_18 = arith.constant 0 : i32
    %dma_start3A_19 = tpu.memref_slice %arg8[%dma_start3A_13, %dma_start3A_14, %dma_start3A_18] : memref<50x4x128xi32, #tpu.memory_space<vmem>> -> memref<1x1x128xi32, #tpu.memory_space<vmem>>
    %dma_start3A_20 = tpu.memref_squeeze %dma_start3A_19 : memref<1x1x128xi32, #tpu.memory_space<vmem>> -> memref<128xi32, #tpu.memory_space<vmem>>
    %dma_start3A_21 = arith.constant 0 : i32
    %dma_start3A_22 = arith.constant 0 : i32
    %dma_start3A_23 = tpu.memref_slice %arg4[%dma_start3A_21, %dma_start3A_22] : memref<1000000x64xf32, #tpu.memory_space<hbm>> -> memref<1000000x64xf32, #tpu.memory_space<hbm>>
    tpu.enqueue_indirect_dma source(%dma_start3A_23 : memref<1000000x64xf32, #tpu.memory_space<hbm>>) target(%dma_start3A_17 : memref<128x64xf32, #tpu.memory_space<vmem>>) offsets(%dma_start3A_20 : memref<128xi32, #tpu.memory_space<vmem>>) semaphore(%arg12 : memref<!tpu.dma_semaphore, #tpu.memory_space<semaphore_mem>>)
    %dma_start3A_24 = arith.constant 0 : i32
    %dma_start3A_25 = arith.constant 2 : i32
    %dma_start3A_26 = arith.constant 256 : i32
    %dma_start3A_27 = arith.constant 0 : i32
    %dma_start3A_28 = tpu.memref_slice %arg10[%dma_start3A_26, %dma_start3A_27] : memref<512x64xf32, #tpu.memory_space<vmem>> -> memref<128x64xf32, #tpu.memory_space<vmem>>
    %dma_start3A_29 = arith.constant 0 : i32
    %dma_start3A_30 = tpu.memref_slice %arg8[%dma_start3A_24, %dma_start3A_25, %dma_start3A_29] : memref<50x4x128xi32, #tpu.memory_space<vmem>> -> memref<1x1x128xi32, #tpu.memory_space<vmem>>
    %dma_start3A_31 = tpu.memref_squeeze %dma_start3A_30 : memref<1x1x128xi32, #tpu.memory_space<vmem>> -> memref<128xi32, #tpu.memory_space<vmem>>
    %dma_start3A_32 = arith.constant 0 : i32
    %dma_start3A_33 = arith.constant 0 : i32
    %dma_start3A_34 = tpu.memref_slice %arg4[%dma_start3A_32, %dma_start3A_33] : memref<1000000x64xf32, #tpu.memory_space<hbm>> -> memref<1000000x64xf32, #tpu.memory_space<hbm>>
    tpu.enqueue_indirect_dma source(%dma_start3A_34 : memref<1000000x64xf32, #tpu.memory_space<hbm>>) target(%dma_start3A_28 : memref<128x64xf32, #tpu.memory_space<vmem>>) offsets(%dma_start3A_31 : memref<128xi32, #tpu.memory_space<vmem>>) semaphore(%arg12 : memref<!tpu.dma_semaphore, #tpu.memory_space<semaphore_mem>>)
    %dma_start3A_35 = arith.constant 0 : i32
    %dma_start3A_36 = arith.constant 3 : i32
    %dma_start3A_37 = arith.constant 384 : i32
    %dma_start3A_38 = arith.constant 0 : i32
    %dma_start3A_39 = tpu.memref_slice %arg10[%dma_start3A_37, %dma_start3A_38] : memref<512x64xf32, #tpu.memory_space<vmem>> -> memref<128x64xf32, #tpu.memory_space<vmem>>
    %dma_start3A_40 = arith.constant 0 : i32
    %dma_start3A_41 = tpu.memref_slice %arg8[%dma_start3A_35, %dma_start3A_36, %dma_start3A_40] : memref<50x4x128xi32, #tpu.memory_space<vmem>> -> memref<1x1x128xi32, #tpu.memory_space<vmem>>
    %dma_start3A_42 = tpu.memref_squeeze %dma_start3A_41 : memref<1x1x128xi32, #tpu.memory_space<vmem>> -> memref<128xi32, #tpu.memory_space<vmem>>
    %dma_start3A_43 = arith.constant 0 : i32
    %dma_start3A_44 = arith.constant 0 : i32
    %dma_start3A_45 = tpu.memref_slice %arg4[%dma_start3A_43, %dma_start3A_44] : memref<1000000x64xf32, #tpu.memory_space<hbm>> -> memref<1000000x64xf32, #tpu.memory_space<hbm>>
    tpu.enqueue_indirect_dma source(%dma_start3A_45 : memref<1000000x64xf32, #tpu.memory_space<hbm>>) target(%dma_start3A_39 : memref<128x64xf32, #tpu.memory_space<vmem>>) offsets(%dma_start3A_42 : memref<128xi32, #tpu.memory_space<vmem>>) semaphore(%arg12 : memref<!tpu.dma_semaphore, #tpu.memory_space<semaphore_mem>>)
    %dma_start3A_46 = arith.constant 0 : i32
    %dma_start3A_47 = arith.constant 0 : i32
    %dma_start3A_48 = arith.constant 0 : i32
    %dma_start3A_49 = arith.constant 0 : i32
    %dma_start3A_50 = tpu.memref_slice %arg11[%dma_start3A_48, %dma_start3A_49] : memref<512x64xf32, #tpu.memory_space<vmem>> -> memref<128x64xf32, #tpu.memory_space<vmem>>
    %dma_start3A_51 = arith.constant 0 : i32
    %dma_start3A_52 = tpu.memref_slice %arg9[%dma_start3A_46, %dma_start3A_47, %dma_start3A_51] : memref<50x4x128xi32, #tpu.memory_space<vmem>> -> memref<1x1x128xi32, #tpu.memory_space<vmem>>
    %dma_start3A_53 = tpu.memref_squeeze %dma_start3A_52 : memref<1x1x128xi32, #tpu.memory_space<vmem>> -> memref<128xi32, #tpu.memory_space<vmem>>
    %dma_start3A_54 = arith.constant 0 : i32
    %dma_start3A_55 = arith.constant 0 : i32
    %dma_start3A_56 = tpu.memref_slice %arg5[%dma_start3A_54, %dma_start3A_55] : memref<1000000x64xf32, #tpu.memory_space<hbm>> -> memref<1000000x64xf32, #tpu.memory_space<hbm>>
    tpu.enqueue_indirect_dma source(%dma_start3A_56 : memref<1000000x64xf32, #tpu.memory_space<hbm>>) target(%dma_start3A_50 : memref<128x64xf32, #tpu.memory_space<vmem>>) offsets(%dma_start3A_53 : memref<128xi32, #tpu.memory_space<vmem>>) semaphore(%arg13 : memref<!tpu.dma_semaphore, #tpu.memory_space<semaphore_mem>>)
    %dma_start3A_57 = arith.constant 0 : i32
    %dma_start3A_58 = arith.constant 1 : i32
    %dma_start3A_59 = arith.constant 128 : i32
    %dma_start3A_60 = arith.constant 0 : i32
    %dma_start3A_61 = tpu.memref_slice %arg11[%dma_start3A_59, %dma_start3A_60] : memref<512x64xf32, #tpu.memory_space<vmem>> -> memref<128x64xf32, #tpu.memory_space<vmem>>
    %dma_start3A_62 = arith.constant 0 : i32
    %dma_start3A_63 = tpu.memref_slice %arg9[%dma_start3A_57, %dma_start3A_58, %dma_start3A_62] : memref<50x4x128xi32, #tpu.memory_space<vmem>> -> memref<1x1x128xi32, #tpu.memory_space<vmem>>
    %dma_start3A_64 = tpu.memref_squeeze %dma_start3A_63 : memref<1x1x128xi32, #tpu.memory_space<vmem>> -> memref<128xi32, #tpu.memory_space<vmem>>
    %dma_start3A_65 = arith.constant 0 : i32
    %dma_start3A_66 = arith.constant 0 : i32
    %dma_start3A_67 = tpu.memref_slice %arg5[%dma_start3A_65, %dma_start3A_66] : memref<1000000x64xf32, #tpu.memory_space<hbm>> -> memref<1000000x64xf32, #tpu.memory_space<hbm>>
    tpu.enqueue_indirect_dma source(%dma_start3A_67 : memref<1000000x64xf32, #tpu.memory_space<hbm>>) target(%dma_start3A_61 : memref<128x64xf32, #tpu.memory_space<vmem>>) offsets(%dma_start3A_64 : memref<128xi32, #tpu.memory_space<vmem>>) semaphore(%arg13 : memref<!tpu.dma_semaphore, #tpu.memory_space<semaphore_mem>>)
    %dma_start3A_68 = arith.constant 0 : i32
    %dma_start3A_69 = arith.constant 2 : i32
    %dma_start3A_70 = arith.constant 256 : i32
    %dma_start3A_71 = arith.constant 0 : i32
    %dma_start3A_72 = tpu.memref_slice %arg11[%dma_start3A_70, %dma_start3A_71] : memref<512x64xf32, #tpu.memory_space<vmem>> -> memref<128x64xf32, #tpu.memory_space<vmem>>
    %dma_start3A_73 = arith.constant 0 : i32
    %dma_start3A_74 = tpu.memref_slice %arg9[%dma_start3A_68, %dma_start3A_69, %dma_start3A_73] : memref<50x4x128xi32, #tpu.memory_space<vmem>> -> memref<1x1x128xi32, #tpu.memory_space<vmem>>
    %dma_start3A_75 = tpu.memref_squeeze %dma_start3A_74 : memref<1x1x128xi32, #tpu.memory_space<vmem>> -> memref<128xi32, #tpu.memory_space<vmem>>
    %dma_start3A_76 = arith.constant 0 : i32
    %dma_start3A_77 = arith.constant 0 : i32
    %dma_start3A_78 = tpu.memref_slice %arg5[%dma_start3A_76, %dma_start3A_77] : memref<1000000x64xf32, #tpu.memory_space<hbm>> -> memref<1000000x64xf32, #tpu.memory_space<hbm>>
    tpu.enqueue_indirect_dma source(%dma_start3A_78 : memref<1000000x64xf32, #tpu.memory_space<hbm>>) target(%dma_start3A_72 : memref<128x64xf32, #tpu.memory_space<vmem>>) offsets(%dma_start3A_75 : memref<128xi32, #tpu.memory_space<vmem>>) semaphore(%arg13 : memref<!tpu.dma_semaphore, #tpu.memory_space<semaphore_mem>>)
    %dma_start3A_79 = arith.constant 0 : i32
    %dma_start3A_80 = arith.constant 3 : i32
    %dma_start3A_81 = arith.constant 384 : i32
    %dma_start3A_82 = arith.constant 0 : i32
    %dma_start3A_83 = tpu.memref_slice %arg11[%dma_start3A_81, %dma_start3A_82] : memref<512x64xf32, #tpu.memory_space<vmem>> -> memref<128x64xf32, #tpu.memory_space<vmem>>
    %dma_start3A_84 = arith.constant 0 : i32
    %dma_start3A_85 = tpu.memref_slice %arg9[%dma_start3A_79, %dma_start3A_80, %dma_start3A_84] : memref<50x4x128xi32, #tpu.memory_space<vmem>> -> memref<1x1x128xi32, #tpu.memory_space<vmem>>
    %dma_start3A_86 = tpu.memref_squeeze %dma_start3A_85 : memref<1x1x128xi32, #tpu.memory_space<vmem>> -> memref<128xi32, #tpu.memory_space<vmem>>
    %dma_start3A_87 = arith.constant 0 : i32
    %dma_start3A_88 = arith.constant 0 : i32
    %dma_start3A_89 = tpu.memref_slice %arg5[%dma_start3A_87, %dma_start3A_88] : memref<1000000x64xf32, #tpu.memory_space<hbm>> -> memref<1000000x64xf32, #tpu.memory_space<hbm>>
    tpu.enqueue_indirect_dma source(%dma_start3A_89 : memref<1000000x64xf32, #tpu.memory_space<hbm>>) target(%dma_start3A_83 : memref<128x64xf32, #tpu.memory_space<vmem>>) offsets(%dma_start3A_86 : memref<128xi32, #tpu.memory_space<vmem>>) semaphore(%arg13 : memref<!tpu.dma_semaphore, #tpu.memory_space<semaphore_mem>>)
    %scan3A = arith.constant 0 : i32
    %scan3A_90 = arith.constant 1 : i32
    %scan3A_91 = arith.constant 49 : i32
    %scan3A_92 = arith.addi %scan3A_90, %scan3A_91 : i32
    %scan3A_93 = arith.constant 1 : i32
    %scan3A_94 = scf.for %scan3A_187 = %scan3A_90 to %scan3A_92 step %scan3A_93 iter_args(%scan3A_188 = %scan3A) -> (i32)  : i32 {
      %dma_wait3A_189 = arith.constant 0 : i32
      %dma_wait3A_190 = arith.constant 0 : i32
      %dma_wait3A_191 = arith.constant 0 : i32
      %dma_wait3A_192 = arith.constant 0 : i32
      %dma_wait3A_193 = tpu.memref_slice %arg10[%dma_wait3A_191, %dma_wait3A_192] : memref<512x64xf32, #tpu.memory_space<vmem>> -> memref<128x64xf32, #tpu.memory_space<vmem>>
      %dma_wait3A_194 = arith.constant 0 : i32
      %dma_wait3A_195 = tpu.memref_slice %arg8[%dma_wait3A_189, %dma_wait3A_190, %dma_wait3A_194] : memref<50x4x128xi32, #tpu.memory_space<vmem>> -> memref<1x1x128xi32, #tpu.memory_space<vmem>>
      %dma_wait3A_196 = tpu.memref_squeeze %dma_wait3A_195 : memref<1x1x128xi32, #tpu.memory_space<vmem>> -> memref<128xi32, #tpu.memory_space<vmem>>
      %dma_wait3A_197 = arith.constant 0 : i32
      %dma_wait3A_198 = arith.constant 0 : i32
      %dma_wait3A_199 = tpu.memref_slice %arg4[%dma_wait3A_197, %dma_wait3A_198] : memref<1000000x64xf32, #tpu.memory_space<hbm>> -> memref<1000000x64xf32, #tpu.memory_space<hbm>>
      tpu.wait_indirect_dma semaphore(%arg12 : memref<!tpu.dma_semaphore, #tpu.memory_space<semaphore_mem>>) src(%dma_wait3A_199 : memref<1000000x64xf32, #tpu.memory_space<hbm>>) dst(%dma_wait3A_193 : memref<128x64xf32, #tpu.memory_space<vmem>>)
      %dma_wait3A_200 = arith.constant 0 : i32
      %dma_wait3A_201 = arith.constant 1 : i32
      %dma_wait3A_202 = arith.constant 128 : i32
      %dma_wait3A_203 = arith.constant 0 : i32
      %dma_wait3A_204 = tpu.memref_slice %arg10[%dma_wait3A_202, %dma_wait3A_203] : memref<512x64xf32, #tpu.memory_space<vmem>> -> memref<128x64xf32, #tpu.memory_space<vmem>>
      %dma_wait3A_205 = arith.constant 0 : i32
      %dma_wait3A_206 = tpu.memref_slice %arg8[%dma_wait3A_200, %dma_wait3A_201, %dma_wait3A_205] : memref<50x4x128xi32, #tpu.memory_space<vmem>> -> memref<1x1x128xi32, #tpu.memory_space<vmem>>
      %dma_wait3A_207 = tpu.memref_squeeze %dma_wait3A_206 : memref<1x1x128xi32, #tpu.memory_space<vmem>> -> memref<128xi32, #tpu.memory_space<vmem>>
      %dma_wait3A_208 = arith.constant 0 : i32
      %dma_wait3A_209 = arith.constant 0 : i32
      %dma_wait3A_210 = tpu.memref_slice %arg4[%dma_wait3A_208, %dma_wait3A_209] : memref<1000000x64xf32, #tpu.memory_space<hbm>> -> memref<1000000x64xf32, #tpu.memory_space<hbm>>
      tpu.wait_indirect_dma semaphore(%arg12 : memref<!tpu.dma_semaphore, #tpu.memory_space<semaphore_mem>>) src(%dma_wait3A_210 : memref<1000000x64xf32, #tpu.memory_space<hbm>>) dst(%dma_wait3A_204 : memref<128x64xf32, #tpu.memory_space<vmem>>)
      %dma_wait3A_211 = arith.constant 0 : i32
      %dma_wait3A_212 = arith.constant 2 : i32
      %dma_wait3A_213 = arith.constant 256 : i32
      %dma_wait3A_214 = arith.constant 0 : i32
      %dma_wait3A_215 = tpu.memref_slice %arg10[%dma_wait3A_213, %dma_wait3A_214] : memref<512x64xf32, #tpu.memory_space<vmem>> -> memref<128x64xf32, #tpu.memory_space<vmem>>
      %dma_wait3A_216 = arith.constant 0 : i32
      %dma_wait3A_217 = tpu.memref_slice %arg8[%dma_wait3A_211, %dma_wait3A_212, %dma_wait3A_216] : memref<50x4x128xi32, #tpu.memory_space<vmem>> -> memref<1x1x128xi32, #tpu.memory_space<vmem>>
      %dma_wait3A_218 = tpu.memref_squeeze %dma_wait3A_217 : memref<1x1x128xi32, #tpu.memory_space<vmem>> -> memref<128xi32, #tpu.memory_space<vmem>>
      %dma_wait3A_219 = arith.constant 0 : i32
      %dma_wait3A_220 = arith.constant 0 : i32
      %dma_wait3A_221 = tpu.memref_slice %arg4[%dma_wait3A_219, %dma_wait3A_220] : memref<1000000x64xf32, #tpu.memory_space<hbm>> -> memref<1000000x64xf32, #tpu.memory_space<hbm>>
      tpu.wait_indirect_dma semaphore(%arg12 : memref<!tpu.dma_semaphore, #tpu.memory_space<semaphore_mem>>) src(%dma_wait3A_221 : memref<1000000x64xf32, #tpu.memory_space<hbm>>) dst(%dma_wait3A_215 : memref<128x64xf32, #tpu.memory_space<vmem>>)
      %dma_wait3A_222 = arith.constant 0 : i32
      %dma_wait3A_223 = arith.constant 3 : i32
      %dma_wait3A_224 = arith.constant 384 : i32
      %dma_wait3A_225 = arith.constant 0 : i32
      %dma_wait3A_226 = tpu.memref_slice %arg10[%dma_wait3A_224, %dma_wait3A_225] : memref<512x64xf32, #tpu.memory_space<vmem>> -> memref<128x64xf32, #tpu.memory_space<vmem>>
      %dma_wait3A_227 = arith.constant 0 : i32
      %dma_wait3A_228 = tpu.memref_slice %arg8[%dma_wait3A_222, %dma_wait3A_223, %dma_wait3A_227] : memref<50x4x128xi32, #tpu.memory_space<vmem>> -> memref<1x1x128xi32, #tpu.memory_space<vmem>>
      %dma_wait3A_229 = tpu.memref_squeeze %dma_wait3A_228 : memref<1x1x128xi32, #tpu.memory_space<vmem>> -> memref<128xi32, #tpu.memory_space<vmem>>
      %dma_wait3A_230 = arith.constant 0 : i32
      %dma_wait3A_231 = arith.constant 0 : i32
      %dma_wait3A_232 = tpu.memref_slice %arg4[%dma_wait3A_230, %dma_wait3A_231] : memref<1000000x64xf32, #tpu.memory_space<hbm>> -> memref<1000000x64xf32, #tpu.memory_space<hbm>>
      tpu.wait_indirect_dma semaphore(%arg12 : memref<!tpu.dma_semaphore, #tpu.memory_space<semaphore_mem>>) src(%dma_wait3A_232 : memref<1000000x64xf32, #tpu.memory_space<hbm>>) dst(%dma_wait3A_226 : memref<128x64xf32, #tpu.memory_space<vmem>>)
      %dma_start3A_233 = arith.constant 0 : i32
      %dma_start3A_234 = arith.constant 0 : i32
      %dma_start3A_235 = arith.constant 0 : i32
      %dma_start3A_236 = tpu.memref_slice %arg10[%dma_start3A_234, %dma_start3A_235] : memref<512x64xf32, #tpu.memory_space<vmem>> -> memref<128x64xf32, #tpu.memory_space<vmem>>
      %dma_start3A_237 = arith.constant 0 : i32
      %dma_start3A_238 = tpu.memref_slice %arg8[%scan3A_187, %dma_start3A_233, %dma_start3A_237] : memref<50x4x128xi32, #tpu.memory_space<vmem>> -> memref<1x1x128xi32, #tpu.memory_space<vmem>>
      %dma_start3A_239 = tpu.memref_squeeze %dma_start3A_238 : memref<1x1x128xi32, #tpu.memory_space<vmem>> -> memref<128xi32, #tpu.memory_space<vmem>>
      %dma_start3A_240 = arith.constant 0 : i32
      %dma_start3A_241 = arith.constant 0 : i32
      %dma_start3A_242 = tpu.memref_slice %arg4[%dma_start3A_240, %dma_start3A_241] : memref<1000000x64xf32, #tpu.memory_space<hbm>> -> memref<1000000x64xf32, #tpu.memory_space<hbm>>
      tpu.enqueue_indirect_dma source(%dma_start3A_242 : memref<1000000x64xf32, #tpu.memory_space<hbm>>) target(%dma_start3A_236 : memref<128x64xf32, #tpu.memory_space<vmem>>) offsets(%dma_start3A_239 : memref<128xi32, #tpu.memory_space<vmem>>) semaphore(%arg12 : memref<!tpu.dma_semaphore, #tpu.memory_space<semaphore_mem>>) {add = true}
      %dma_start3A_243 = arith.constant 1 : i32
      %dma_start3A_244 = arith.constant 128 : i32
      %dma_start3A_245 = arith.constant 0 : i32
      %dma_start3A_246 = tpu.memref_slice %arg10[%dma_start3A_244, %dma_start3A_245] : memref<512x64xf32, #tpu.memory_space<vmem>> -> memref<128x64xf32, #tpu.memory_space<vmem>>
      %dma_start3A_247 = arith.constant 0 : i32
      %dma_start3A_248 = tpu.memref_slice %arg8[%scan3A_187, %dma_start3A_243, %dma_start3A_247] : memref<50x4x128xi32, #tpu.memory_space<vmem>> -> memref<1x1x128xi32, #tpu.memory_space<vmem>>
      %dma_start3A_249 = tpu.memref_squeeze %dma_start3A_248 : memref<1x1x128xi32, #tpu.memory_space<vmem>> -> memref<128xi32, #tpu.memory_space<vmem>>
      %dma_start3A_250 = arith.constant 0 : i32
      %dma_start3A_251 = arith.constant 0 : i32
      %dma_start3A_252 = tpu.memref_slice %arg4[%dma_start3A_250, %dma_start3A_251] : memref<1000000x64xf32, #tpu.memory_space<hbm>> -> memref<1000000x64xf32, #tpu.memory_space<hbm>>
      tpu.enqueue_indirect_dma source(%dma_start3A_252 : memref<1000000x64xf32, #tpu.memory_space<hbm>>) target(%dma_start3A_246 : memref<128x64xf32, #tpu.memory_space<vmem>>) offsets(%dma_start3A_249 : memref<128xi32, #tpu.memory_space<vmem>>) semaphore(%arg12 : memref<!tpu.dma_semaphore, #tpu.memory_space<semaphore_mem>>) {add = true}
      %dma_start3A_253 = arith.constant 2 : i32
      %dma_start3A_254 = arith.constant 256 : i32
      %dma_start3A_255 = arith.constant 0 : i32
      %dma_start3A_256 = tpu.memref_slice %arg10[%dma_start3A_254, %dma_start3A_255] : memref<512x64xf32, #tpu.memory_space<vmem>> -> memref<128x64xf32, #tpu.memory_space<vmem>>
      %dma_start3A_257 = arith.constant 0 : i32
      %dma_start3A_258 = tpu.memref_slice %arg8[%scan3A_187, %dma_start3A_253, %dma_start3A_257] : memref<50x4x128xi32, #tpu.memory_space<vmem>> -> memref<1x1x128xi32, #tpu.memory_space<vmem>>
      %dma_start3A_259 = tpu.memref_squeeze %dma_start3A_258 : memref<1x1x128xi32, #tpu.memory_space<vmem>> -> memref<128xi32, #tpu.memory_space<vmem>>
      %dma_start3A_260 = arith.constant 0 : i32
      %dma_start3A_261 = arith.constant 0 : i32
      %dma_start3A_262 = tpu.memref_slice %arg4[%dma_start3A_260, %dma_start3A_261] : memref<1000000x64xf32, #tpu.memory_space<hbm>> -> memref<1000000x64xf32, #tpu.memory_space<hbm>>
      tpu.enqueue_indirect_dma source(%dma_start3A_262 : memref<1000000x64xf32, #tpu.memory_space<hbm>>) target(%dma_start3A_256 : memref<128x64xf32, #tpu.memory_space<vmem>>) offsets(%dma_start3A_259 : memref<128xi32, #tpu.memory_space<vmem>>) semaphore(%arg12 : memref<!tpu.dma_semaphore, #tpu.memory_space<semaphore_mem>>) {add = true}
      %dma_start3A_263 = arith.constant 3 : i32
      %dma_start3A_264 = arith.constant 384 : i32
      %dma_start3A_265 = arith.constant 0 : i32
      %dma_start3A_266 = tpu.memref_slice %arg10[%dma_start3A_264, %dma_start3A_265] : memref<512x64xf32, #tpu.memory_space<vmem>> -> memref<128x64xf32, #tpu.memory_space<vmem>>
      %dma_start3A_267 = arith.constant 0 : i32
      %dma_start3A_268 = tpu.memref_slice %arg8[%scan3A_187, %dma_start3A_263, %dma_start3A_267] : memref<50x4x128xi32, #tpu.memory_space<vmem>> -> memref<1x1x128xi32, #tpu.memory_space<vmem>>
      %dma_start3A_269 = tpu.memref_squeeze %dma_start3A_268 : memref<1x1x128xi32, #tpu.memory_space<vmem>> -> memref<128xi32, #tpu.memory_space<vmem>>
      %dma_start3A_270 = arith.constant 0 : i32
      %dma_start3A_271 = arith.constant 0 : i32
      %dma_start3A_272 = tpu.memref_slice %arg4[%dma_start3A_270, %dma_start3A_271] : memref<1000000x64xf32, #tpu.memory_space<hbm>> -> memref<1000000x64xf32, #tpu.memory_space<hbm>>
      tpu.enqueue_indirect_dma source(%dma_start3A_272 : memref<1000000x64xf32, #tpu.memory_space<hbm>>) target(%dma_start3A_266 : memref<128x64xf32, #tpu.memory_space<vmem>>) offsets(%dma_start3A_269 : memref<128xi32, #tpu.memory_space<vmem>>) semaphore(%arg12 : memref<!tpu.dma_semaphore, #tpu.memory_space<semaphore_mem>>) {add = true}
      %dma_wait3A_273 = arith.constant 0 : i32
      %dma_wait3A_274 = arith.constant 0 : i32
      %dma_wait3A_275 = arith.constant 0 : i32
      %dma_wait3A_276 = arith.constant 0 : i32
      %dma_wait3A_277 = tpu.memref_slice %arg11[%dma_wait3A_275, %dma_wait3A_276] : memref<512x64xf32, #tpu.memory_space<vmem>> -> memref<128x64xf32, #tpu.memory_space<vmem>>
      %dma_wait3A_278 = arith.constant 0 : i32
      %dma_wait3A_279 = tpu.memref_slice %arg9[%dma_wait3A_273, %dma_wait3A_274, %dma_wait3A_278] : memref<50x4x128xi32, #tpu.memory_space<vmem>> -> memref<1x1x128xi32, #tpu.memory_space<vmem>>
      %dma_wait3A_280 = tpu.memref_squeeze %dma_wait3A_279 : memref<1x1x128xi32, #tpu.memory_space<vmem>> -> memref<128xi32, #tpu.memory_space<vmem>>
      %dma_wait3A_281 = arith.constant 0 : i32
      %dma_wait3A_282 = arith.constant 0 : i32
      %dma_wait3A_283 = tpu.memref_slice %arg5[%dma_wait3A_281, %dma_wait3A_282] : memref<1000000x64xf32, #tpu.memory_space<hbm>> -> memref<1000000x64xf32, #tpu.memory_space<hbm>>
      tpu.wait_indirect_dma semaphore(%arg13 : memref<!tpu.dma_semaphore, #tpu.memory_space<semaphore_mem>>) src(%dma_wait3A_283 : memref<1000000x64xf32, #tpu.memory_space<hbm>>) dst(%dma_wait3A_277 : memref<128x64xf32, #tpu.memory_space<vmem>>)
      %dma_wait3A_284 = arith.constant 0 : i32
      %dma_wait3A_285 = arith.constant 1 : i32
      %dma_wait3A_286 = arith.constant 128 : i32
      %dma_wait3A_287 = arith.constant 0 : i32
      %dma_wait3A_288 = tpu.memref_slice %arg11[%dma_wait3A_286, %dma_wait3A_287] : memref<512x64xf32, #tpu.memory_space<vmem>> -> memref<128x64xf32, #tpu.memory_space<vmem>>
      %dma_wait3A_289 = arith.constant 0 : i32
      %dma_wait3A_290 = tpu.memref_slice %arg9[%dma_wait3A_284, %dma_wait3A_285, %dma_wait3A_289] : memref<50x4x128xi32, #tpu.memory_space<vmem>> -> memref<1x1x128xi32, #tpu.memory_space<vmem>>
      %dma_wait3A_291 = tpu.memref_squeeze %dma_wait3A_290 : memref<1x1x128xi32, #tpu.memory_space<vmem>> -> memref<128xi32, #tpu.memory_space<vmem>>
      %dma_wait3A_292 = arith.constant 0 : i32
      %dma_wait3A_293 = arith.constant 0 : i32
      %dma_wait3A_294 = tpu.memref_slice %arg5[%dma_wait3A_292, %dma_wait3A_293] : memref<1000000x64xf32, #tpu.memory_space<hbm>> -> memref<1000000x64xf32, #tpu.memory_space<hbm>>
      tpu.wait_indirect_dma semaphore(%arg13 : memref<!tpu.dma_semaphore, #tpu.memory_space<semaphore_mem>>) src(%dma_wait3A_294 : memref<1000000x64xf32, #tpu.memory_space<hbm>>) dst(%dma_wait3A_288 : memref<128x64xf32, #tpu.memory_space<vmem>>)
      %dma_wait3A_295 = arith.constant 0 : i32
      %dma_wait3A_296 = arith.constant 2 : i32
      %dma_wait3A_297 = arith.constant 256 : i32
      %dma_wait3A_298 = arith.constant 0 : i32
      %dma_wait3A_299 = tpu.memref_slice %arg11[%dma_wait3A_297, %dma_wait3A_298] : memref<512x64xf32, #tpu.memory_space<vmem>> -> memref<128x64xf32, #tpu.memory_space<vmem>>
      %dma_wait3A_300 = arith.constant 0 : i32
      %dma_wait3A_301 = tpu.memref_slice %arg9[%dma_wait3A_295, %dma_wait3A_296, %dma_wait3A_300] : memref<50x4x128xi32, #tpu.memory_space<vmem>> -> memref<1x1x128xi32, #tpu.memory_space<vmem>>
      %dma_wait3A_302 = tpu.memref_squeeze %dma_wait3A_301 : memref<1x1x128xi32, #tpu.memory_space<vmem>> -> memref<128xi32, #tpu.memory_space<vmem>>
      %dma_wait3A_303 = arith.constant 0 : i32
      %dma_wait3A_304 = arith.constant 0 : i32
      %dma_wait3A_305 = tpu.memref_slice %arg5[%dma_wait3A_303, %dma_wait3A_304] : memref<1000000x64xf32, #tpu.memory_space<hbm>> -> memref<1000000x64xf32, #tpu.memory_space<hbm>>
      tpu.wait_indirect_dma semaphore(%arg13 : memref<!tpu.dma_semaphore, #tpu.memory_space<semaphore_mem>>) src(%dma_wait3A_305 : memref<1000000x64xf32, #tpu.memory_space<hbm>>) dst(%dma_wait3A_299 : memref<128x64xf32, #tpu.memory_space<vmem>>)
      %dma_wait3A_306 = arith.constant 0 : i32
      %dma_wait3A_307 = arith.constant 3 : i32
      %dma_wait3A_308 = arith.constant 384 : i32
      %dma_wait3A_309 = arith.constant 0 : i32
      %dma_wait3A_310 = tpu.memref_slice %arg11[%dma_wait3A_308, %dma_wait3A_309] : memref<512x64xf32, #tpu.memory_space<vmem>> -> memref<128x64xf32, #tpu.memory_space<vmem>>
      %dma_wait3A_311 = arith.constant 0 : i32
      %dma_wait3A_312 = tpu.memref_slice %arg9[%dma_wait3A_306, %dma_wait3A_307, %dma_wait3A_311] : memref<50x4x128xi32, #tpu.memory_space<vmem>> -> memref<1x1x128xi32, #tpu.memory_space<vmem>>
      %dma_wait3A_313 = tpu.memref_squeeze %dma_wait3A_312 : memref<1x1x128xi32, #tpu.memory_space<vmem>> -> memref<128xi32, #tpu.memory_space<vmem>>
      %dma_wait3A_314 = arith.constant 0 : i32
      %dma_wait3A_315 = arith.constant 0 : i32
      %dma_wait3A_316 = tpu.memref_slice %arg5[%dma_wait3A_314, %dma_wait3A_315] : memref<1000000x64xf32, #tpu.memory_space<hbm>> -> memref<1000000x64xf32, #tpu.memory_space<hbm>>
      tpu.wait_indirect_dma semaphore(%arg13 : memref<!tpu.dma_semaphore, #tpu.memory_space<semaphore_mem>>) src(%dma_wait3A_316 : memref<1000000x64xf32, #tpu.memory_space<hbm>>) dst(%dma_wait3A_310 : memref<128x64xf32, #tpu.memory_space<vmem>>)
      %dma_start3A_317 = arith.constant 0 : i32
      %dma_start3A_318 = arith.constant 0 : i32
      %dma_start3A_319 = arith.constant 0 : i32
      %dma_start3A_320 = tpu.memref_slice %arg11[%dma_start3A_318, %dma_start3A_319] : memref<512x64xf32, #tpu.memory_space<vmem>> -> memref<128x64xf32, #tpu.memory_space<vmem>>
      %dma_start3A_321 = arith.constant 0 : i32
      %dma_start3A_322 = tpu.memref_slice %arg9[%scan3A_187, %dma_start3A_317, %dma_start3A_321] : memref<50x4x128xi32, #tpu.memory_space<vmem>> -> memref<1x1x128xi32, #tpu.memory_space<vmem>>
      %dma_start3A_323 = tpu.memref_squeeze %dma_start3A_322 : memref<1x1x128xi32, #tpu.memory_space<vmem>> -> memref<128xi32, #tpu.memory_space<vmem>>
      %dma_start3A_324 = arith.constant 0 : i32
      %dma_start3A_325 = arith.constant 0 : i32
      %dma_start3A_326 = tpu.memref_slice %arg5[%dma_start3A_324, %dma_start3A_325] : memref<1000000x64xf32, #tpu.memory_space<hbm>> -> memref<1000000x64xf32, #tpu.memory_space<hbm>>
      tpu.enqueue_indirect_dma source(%dma_start3A_326 : memref<1000000x64xf32, #tpu.memory_space<hbm>>) target(%dma_start3A_320 : memref<128x64xf32, #tpu.memory_space<vmem>>) offsets(%dma_start3A_323 : memref<128xi32, #tpu.memory_space<vmem>>) semaphore(%arg13 : memref<!tpu.dma_semaphore, #tpu.memory_space<semaphore_mem>>) {add = true}
      %dma_start3A_327 = arith.constant 1 : i32
      %dma_start3A_328 = arith.constant 128 : i32
      %dma_start3A_329 = arith.constant 0 : i32
      %dma_start3A_330 = tpu.memref_slice %arg11[%dma_start3A_328, %dma_start3A_329] : memref<512x64xf32, #tpu.memory_space<vmem>> -> memref<128x64xf32, #tpu.memory_space<vmem>>
      %dma_start3A_331 = arith.constant 0 : i32
      %dma_start3A_332 = tpu.memref_slice %arg9[%scan3A_187, %dma_start3A_327, %dma_start3A_331] : memref<50x4x128xi32, #tpu.memory_space<vmem>> -> memref<1x1x128xi32, #tpu.memory_space<vmem>>
      %dma_start3A_333 = tpu.memref_squeeze %dma_start3A_332 : memref<1x1x128xi32, #tpu.memory_space<vmem>> -> memref<128xi32, #tpu.memory_space<vmem>>
      %dma_start3A_334 = arith.constant 0 : i32
      %dma_start3A_335 = arith.constant 0 : i32
      %dma_start3A_336 = tpu.memref_slice %arg5[%dma_start3A_334, %dma_start3A_335] : memref<1000000x64xf32, #tpu.memory_space<hbm>> -> memref<1000000x64xf32, #tpu.memory_space<hbm>>
      tpu.enqueue_indirect_dma source(%dma_start3A_336 : memref<1000000x64xf32, #tpu.memory_space<hbm>>) target(%dma_start3A_330 : memref<128x64xf32, #tpu.memory_space<vmem>>) offsets(%dma_start3A_333 : memref<128xi32, #tpu.memory_space<vmem>>) semaphore(%arg13 : memref<!tpu.dma_semaphore, #tpu.memory_space<semaphore_mem>>) {add = true}
      %dma_start3A_337 = arith.constant 2 : i32
      %dma_start3A_338 = arith.constant 256 : i32
      %dma_start3A_339 = arith.constant 0 : i32
      %dma_start3A_340 = tpu.memref_slice %arg11[%dma_start3A_338, %dma_start3A_339] : memref<512x64xf32, #tpu.memory_space<vmem>> -> memref<128x64xf32, #tpu.memory_space<vmem>>
      %dma_start3A_341 = arith.constant 0 : i32
      %dma_start3A_342 = tpu.memref_slice %arg9[%scan3A_187, %dma_start3A_337, %dma_start3A_341] : memref<50x4x128xi32, #tpu.memory_space<vmem>> -> memref<1x1x128xi32, #tpu.memory_space<vmem>>
      %dma_start3A_343 = tpu.memref_squeeze %dma_start3A_342 : memref<1x1x128xi32, #tpu.memory_space<vmem>> -> memref<128xi32, #tpu.memory_space<vmem>>
      %dma_start3A_344 = arith.constant 0 : i32
      %dma_start3A_345 = arith.constant 0 : i32
      %dma_start3A_346 = tpu.memref_slice %arg5[%dma_start3A_344, %dma_start3A_345] : memref<1000000x64xf32, #tpu.memory_space<hbm>> -> memref<1000000x64xf32, #tpu.memory_space<hbm>>
      tpu.enqueue_indirect_dma source(%dma_start3A_346 : memref<1000000x64xf32, #tpu.memory_space<hbm>>) target(%dma_start3A_340 : memref<128x64xf32, #tpu.memory_space<vmem>>) offsets(%dma_start3A_343 : memref<128xi32, #tpu.memory_space<vmem>>) semaphore(%arg13 : memref<!tpu.dma_semaphore, #tpu.memory_space<semaphore_mem>>) {add = true}
      %dma_start3A_347 = arith.constant 3 : i32
      %dma_start3A_348 = arith.constant 384 : i32
      %dma_start3A_349 = arith.constant 0 : i32
      %dma_start3A_350 = tpu.memref_slice %arg11[%dma_start3A_348, %dma_start3A_349] : memref<512x64xf32, #tpu.memory_space<vmem>> -> memref<128x64xf32, #tpu.memory_space<vmem>>
      %dma_start3A_351 = arith.constant 0 : i32
      %dma_start3A_352 = tpu.memref_slice %arg9[%scan3A_187, %dma_start3A_347, %dma_start3A_351] : memref<50x4x128xi32, #tpu.memory_space<vmem>> -> memref<1x1x128xi32, #tpu.memory_space<vmem>>
      %dma_start3A_353 = tpu.memref_squeeze %dma_start3A_352 : memref<1x1x128xi32, #tpu.memory_space<vmem>> -> memref<128xi32, #tpu.memory_space<vmem>>
      %dma_start3A_354 = arith.constant 0 : i32
      %dma_start3A_355 = arith.constant 0 : i32
      %dma_start3A_356 = tpu.memref_slice %arg5[%dma_start3A_354, %dma_start3A_355] : memref<1000000x64xf32, #tpu.memory_space<hbm>> -> memref<1000000x64xf32, #tpu.memory_space<hbm>>
      tpu.enqueue_indirect_dma source(%dma_start3A_356 : memref<1000000x64xf32, #tpu.memory_space<hbm>>) target(%dma_start3A_350 : memref<128x64xf32, #tpu.memory_space<vmem>>) offsets(%dma_start3A_353 : memref<128xi32, #tpu.memory_space<vmem>>) semaphore(%arg13 : memref<!tpu.dma_semaphore, #tpu.memory_space<semaphore_mem>>) {add = true}
      %scan3A_357 = arith.constant 0 : i32
      scf.yield %scan3A_357 : i32
    }
    %scan3A_95 = arith.constant 49 : i32
    %dma_wait3A = arith.constant 0 : i32
    %dma_wait3A_96 = arith.constant 0 : i32
    %dma_wait3A_97 = arith.constant 0 : i32
    %dma_wait3A_98 = arith.constant 0 : i32
    %dma_wait3A_99 = tpu.memref_slice %arg10[%dma_wait3A_97, %dma_wait3A_98] : memref<512x64xf32, #tpu.memory_space<vmem>> -> memref<128x64xf32, #tpu.memory_space<vmem>>
    %dma_wait3A_100 = arith.constant 0 : i32
    %dma_wait3A_101 = tpu.memref_slice %arg8[%dma_wait3A, %dma_wait3A_96, %dma_wait3A_100] : memref<50x4x128xi32, #tpu.memory_space<vmem>> -> memref<1x1x128xi32, #tpu.memory_space<vmem>>
    %dma_wait3A_102 = tpu.memref_squeeze %dma_wait3A_101 : memref<1x1x128xi32, #tpu.memory_space<vmem>> -> memref<128xi32, #tpu.memory_space<vmem>>
    %dma_wait3A_103 = arith.constant 0 : i32
    %dma_wait3A_104 = arith.constant 0 : i32
    %dma_wait3A_105 = tpu.memref_slice %arg4[%dma_wait3A_103, %dma_wait3A_104] : memref<1000000x64xf32, #tpu.memory_space<hbm>> -> memref<1000000x64xf32, #tpu.memory_space<hbm>>
    tpu.wait_indirect_dma semaphore(%arg12 : memref<!tpu.dma_semaphore, #tpu.memory_space<semaphore_mem>>) src(%dma_wait3A_105 : memref<1000000x64xf32, #tpu.memory_space<hbm>>) dst(%dma_wait3A_99 : memref<128x64xf32, #tpu.memory_space<vmem>>)
    %dma_wait3A_106 = arith.constant 0 : i32
    %dma_wait3A_107 = arith.constant 1 : i32
    %dma_wait3A_108 = arith.constant 128 : i32
    %dma_wait3A_109 = arith.constant 0 : i32
    %dma_wait3A_110 = tpu.memref_slice %arg10[%dma_wait3A_108, %dma_wait3A_109] : memref<512x64xf32, #tpu.memory_space<vmem>> -> memref<128x64xf32, #tpu.memory_space<vmem>>
    %dma_wait3A_111 = arith.constant 0 : i32
    %dma_wait3A_112 = tpu.memref_slice %arg8[%dma_wait3A_106, %dma_wait3A_107, %dma_wait3A_111] : memref<50x4x128xi32, #tpu.memory_space<vmem>> -> memref<1x1x128xi32, #tpu.memory_space<vmem>>
    %dma_wait3A_113 = tpu.memref_squeeze %dma_wait3A_112 : memref<1x1x128xi32, #tpu.memory_space<vmem>> -> memref<128xi32, #tpu.memory_space<vmem>>
    %dma_wait3A_114 = arith.constant 0 : i32
    %dma_wait3A_115 = arith.constant 0 : i32
    %dma_wait3A_116 = tpu.memref_slice %arg4[%dma_wait3A_114, %dma_wait3A_115] : memref<1000000x64xf32, #tpu.memory_space<hbm>> -> memref<1000000x64xf32, #tpu.memory_space<hbm>>
    tpu.wait_indirect_dma semaphore(%arg12 : memref<!tpu.dma_semaphore, #tpu.memory_space<semaphore_mem>>) src(%dma_wait3A_116 : memref<1000000x64xf32, #tpu.memory_space<hbm>>) dst(%dma_wait3A_110 : memref<128x64xf32, #tpu.memory_space<vmem>>)
    %dma_wait3A_117 = arith.constant 0 : i32
    %dma_wait3A_118 = arith.constant 2 : i32
    %dma_wait3A_119 = arith.constant 256 : i32
    %dma_wait3A_120 = arith.constant 0 : i32
    %dma_wait3A_121 = tpu.memref_slice %arg10[%dma_wait3A_119, %dma_wait3A_120] : memref<512x64xf32, #tpu.memory_space<vmem>> -> memref<128x64xf32, #tpu.memory_space<vmem>>
    %dma_wait3A_122 = arith.constant 0 : i32
    %dma_wait3A_123 = tpu.memref_slice %arg8[%dma_wait3A_117, %dma_wait3A_118, %dma_wait3A_122] : memref<50x4x128xi32, #tpu.memory_space<vmem>> -> memref<1x1x128xi32, #tpu.memory_space<vmem>>
    %dma_wait3A_124 = tpu.memref_squeeze %dma_wait3A_123 : memref<1x1x128xi32, #tpu.memory_space<vmem>> -> memref<128xi32, #tpu.memory_space<vmem>>
    %dma_wait3A_125 = arith.constant 0 : i32
    %dma_wait3A_126 = arith.constant 0 : i32
    %dma_wait3A_127 = tpu.memref_slice %arg4[%dma_wait3A_125, %dma_wait3A_126] : memref<1000000x64xf32, #tpu.memory_space<hbm>> -> memref<1000000x64xf32, #tpu.memory_space<hbm>>
    tpu.wait_indirect_dma semaphore(%arg12 : memref<!tpu.dma_semaphore, #tpu.memory_space<semaphore_mem>>) src(%dma_wait3A_127 : memref<1000000x64xf32, #tpu.memory_space<hbm>>) dst(%dma_wait3A_121 : memref<128x64xf32, #tpu.memory_space<vmem>>)
    %dma_wait3A_128 = arith.constant 0 : i32
    %dma_wait3A_129 = arith.constant 3 : i32
    %dma_wait3A_130 = arith.constant 384 : i32
    %dma_wait3A_131 = arith.constant 0 : i32
    %dma_wait3A_132 = tpu.memref_slice %arg10[%dma_wait3A_130, %dma_wait3A_131] : memref<512x64xf32, #tpu.memory_space<vmem>> -> memref<128x64xf32, #tpu.memory_space<vmem>>
    %dma_wait3A_133 = arith.constant 0 : i32
    %dma_wait3A_134 = tpu.memref_slice %arg8[%dma_wait3A_128, %dma_wait3A_129, %dma_wait3A_133] : memref<50x4x128xi32, #tpu.memory_space<vmem>> -> memref<1x1x128xi32, #tpu.memory_space<vmem>>
    %dma_wait3A_135 = tpu.memref_squeeze %dma_wait3A_134 : memref<1x1x128xi32, #tpu.memory_space<vmem>> -> memref<128xi32, #tpu.memory_space<vmem>>
    %dma_wait3A_136 = arith.constant 0 : i32
    %dma_wait3A_137 = arith.constant 0 : i32
    %dma_wait3A_138 = tpu.memref_slice %arg4[%dma_wait3A_136, %dma_wait3A_137] : memref<1000000x64xf32, #tpu.memory_space<hbm>> -> memref<1000000x64xf32, #tpu.memory_space<hbm>>
    tpu.wait_indirect_dma semaphore(%arg12 : memref<!tpu.dma_semaphore, #tpu.memory_space<semaphore_mem>>) src(%dma_wait3A_138 : memref<1000000x64xf32, #tpu.memory_space<hbm>>) dst(%dma_wait3A_132 : memref<128x64xf32, #tpu.memory_space<vmem>>)
    %dma_wait3A_139 = arith.constant 0 : i32
    %dma_wait3A_140 = arith.constant 0 : i32
    %dma_wait3A_141 = arith.constant 0 : i32
    %dma_wait3A_142 = arith.constant 0 : i32
    %dma_wait3A_143 = tpu.memref_slice %arg11[%dma_wait3A_141, %dma_wait3A_142] : memref<512x64xf32, #tpu.memory_space<vmem>> -> memref<128x64xf32, #tpu.memory_space<vmem>>
    %dma_wait3A_144 = arith.constant 0 : i32
    %dma_wait3A_145 = tpu.memref_slice %arg9[%dma_wait3A_139, %dma_wait3A_140, %dma_wait3A_144] : memref<50x4x128xi32, #tpu.memory_space<vmem>> -> memref<1x1x128xi32, #tpu.memory_space<vmem>>
    %dma_wait3A_146 = tpu.memref_squeeze %dma_wait3A_145 : memref<1x1x128xi32, #tpu.memory_space<vmem>> -> memref<128xi32, #tpu.memory_space<vmem>>
    %dma_wait3A_147 = arith.constant 0 : i32
    %dma_wait3A_148 = arith.constant 0 : i32
    %dma_wait3A_149 = tpu.memref_slice %arg5[%dma_wait3A_147, %dma_wait3A_148] : memref<1000000x64xf32, #tpu.memory_space<hbm>> -> memref<1000000x64xf32, #tpu.memory_space<hbm>>
    tpu.wait_indirect_dma semaphore(%arg13 : memref<!tpu.dma_semaphore, #tpu.memory_space<semaphore_mem>>) src(%dma_wait3A_149 : memref<1000000x64xf32, #tpu.memory_space<hbm>>) dst(%dma_wait3A_143 : memref<128x64xf32, #tpu.memory_space<vmem>>)
    %dma_wait3A_150 = arith.constant 0 : i32
    %dma_wait3A_151 = arith.constant 1 : i32
    %dma_wait3A_152 = arith.constant 128 : i32
    %dma_wait3A_153 = arith.constant 0 : i32
    %dma_wait3A_154 = tpu.memref_slice %arg11[%dma_wait3A_152, %dma_wait3A_153] : memref<512x64xf32, #tpu.memory_space<vmem>> -> memref<128x64xf32, #tpu.memory_space<vmem>>
    %dma_wait3A_155 = arith.constant 0 : i32
    %dma_wait3A_156 = tpu.memref_slice %arg9[%dma_wait3A_150, %dma_wait3A_151, %dma_wait3A_155] : memref<50x4x128xi32, #tpu.memory_space<vmem>> -> memref<1x1x128xi32, #tpu.memory_space<vmem>>
    %dma_wait3A_157 = tpu.memref_squeeze %dma_wait3A_156 : memref<1x1x128xi32, #tpu.memory_space<vmem>> -> memref<128xi32, #tpu.memory_space<vmem>>
    %dma_wait3A_158 = arith.constant 0 : i32
    %dma_wait3A_159 = arith.constant 0 : i32
    %dma_wait3A_160 = tpu.memref_slice %arg5[%dma_wait3A_158, %dma_wait3A_159] : memref<1000000x64xf32, #tpu.memory_space<hbm>> -> memref<1000000x64xf32, #tpu.memory_space<hbm>>
    tpu.wait_indirect_dma semaphore(%arg13 : memref<!tpu.dma_semaphore, #tpu.memory_space<semaphore_mem>>) src(%dma_wait3A_160 : memref<1000000x64xf32, #tpu.memory_space<hbm>>) dst(%dma_wait3A_154 : memref<128x64xf32, #tpu.memory_space<vmem>>)
    %dma_wait3A_161 = arith.constant 0 : i32
    %dma_wait3A_162 = arith.constant 2 : i32
    %dma_wait3A_163 = arith.constant 256 : i32
    %dma_wait3A_164 = arith.constant 0 : i32
    %dma_wait3A_165 = tpu.memref_slice %arg11[%dma_wait3A_163, %dma_wait3A_164] : memref<512x64xf32, #tpu.memory_space<vmem>> -> memref<128x64xf32, #tpu.memory_space<vmem>>
    %dma_wait3A_166 = arith.constant 0 : i32
    %dma_wait3A_167 = tpu.memref_slice %arg9[%dma_wait3A_161, %dma_wait3A_162, %dma_wait3A_166] : memref<50x4x128xi32, #tpu.memory_space<vmem>> -> memref<1x1x128xi32, #tpu.memory_space<vmem>>
    %dma_wait3A_168 = tpu.memref_squeeze %dma_wait3A_167 : memref<1x1x128xi32, #tpu.memory_space<vmem>> -> memref<128xi32, #tpu.memory_space<vmem>>
    %dma_wait3A_169 = arith.constant 0 : i32
    %dma_wait3A_170 = arith.constant 0 : i32
    %dma_wait3A_171 = tpu.memref_slice %arg5[%dma_wait3A_169, %dma_wait3A_170] : memref<1000000x64xf32, #tpu.memory_space<hbm>> -> memref<1000000x64xf32, #tpu.memory_space<hbm>>
    tpu.wait_indirect_dma semaphore(%arg13 : memref<!tpu.dma_semaphore, #tpu.memory_space<semaphore_mem>>) src(%dma_wait3A_171 : memref<1000000x64xf32, #tpu.memory_space<hbm>>) dst(%dma_wait3A_165 : memref<128x64xf32, #tpu.memory_space<vmem>>)
    %dma_wait3A_172 = arith.constant 0 : i32
    %dma_wait3A_173 = arith.constant 3 : i32
    %dma_wait3A_174 = arith.constant 384 : i32
    %dma_wait3A_175 = arith.constant 0 : i32
    %dma_wait3A_176 = tpu.memref_slice %arg11[%dma_wait3A_174, %dma_wait3A_175] : memref<512x64xf32, #tpu.memory_space<vmem>> -> memref<128x64xf32, #tpu.memory_space<vmem>>
    %dma_wait3A_177 = arith.constant 0 : i32
    %dma_wait3A_178 = tpu.memref_slice %arg9[%dma_wait3A_172, %dma_wait3A_173, %dma_wait3A_177] : memref<50x4x128xi32, #tpu.memory_space<vmem>> -> memref<1x1x128xi32, #tpu.memory_space<vmem>>
    %dma_wait3A_179 = tpu.memref_squeeze %dma_wait3A_178 : memref<1x1x128xi32, #tpu.memory_space<vmem>> -> memref<128xi32, #tpu.memory_space<vmem>>
    %dma_wait3A_180 = arith.constant 0 : i32
    %dma_wait3A_181 = arith.constant 0 : i32
    %dma_wait3A_182 = tpu.memref_slice %arg5[%dma_wait3A_180, %dma_wait3A_181] : memref<1000000x64xf32, #tpu.memory_space<hbm>> -> memref<1000000x64xf32, #tpu.memory_space<hbm>>
    tpu.wait_indirect_dma semaphore(%arg13 : memref<!tpu.dma_semaphore, #tpu.memory_space<semaphore_mem>>) src(%dma_wait3A_182 : memref<1000000x64xf32, #tpu.memory_space<hbm>>) dst(%dma_wait3A_176 : memref<128x64xf32, #tpu.memory_space<vmem>>)
    %mul3A_183 = arith.constant 512 : i32
    %mul3A_184 = arith.muli %add3A, %mul3A_183 : i32
    "tpu.region"() ({
      %run_scoped3A = tpu.sem_alloc : memref<!tpu.dma_semaphore, #tpu.memory_space<semaphore_mem>>
      %dma_start3A_187 = arith.constant 0 : i32
      %dma_start3A_188 = tpu.memref_slice %arg6[%mul3A_184, %dma_start3A_187] : memref<16384x64xf32, #tpu.memory_space<hbm>> -> memref<512x64xf32, #tpu.memory_space<hbm>>
      %dma_start3A_189 = arith.constant 0 : i32
      %dma_start3A_190 = tpu.memref_slice %arg6[%mul3A_184, %dma_start3A_189] : memref<16384x64xf32, #tpu.memory_space<hbm>> -> memref<512x64xf32, #tpu.memory_space<hbm>>
      tpu.enqueue_dma source(%arg10 : memref<512x64xf32, #tpu.memory_space<vmem>>) target(%dma_start3A_190 : memref<512x64xf32, #tpu.memory_space<hbm>>) target_semaphore(%run_scoped3A : memref<!tpu.dma_semaphore, #tpu.memory_space<semaphore_mem>>)
      %dma_wait3A_191 = arith.constant 0 : i32
      %dma_wait3A_192 = tpu.memref_slice %arg6[%mul3A_184, %dma_wait3A_191] : memref<16384x64xf32, #tpu.memory_space<hbm>> -> memref<512x64xf32, #tpu.memory_space<hbm>>
      %dma_wait3A_193 = arith.constant 0 : i32
      %dma_wait3A_194 = tpu.memref_slice %arg6[%mul3A_184, %dma_wait3A_193] : memref<16384x64xf32, #tpu.memory_space<hbm>> -> memref<512x64xf32, #tpu.memory_space<hbm>>
      tpu.wait_dma2 semaphore(%run_scoped3A : memref<!tpu.dma_semaphore, #tpu.memory_space<semaphore_mem>>) src(%arg10 : memref<512x64xf32, #tpu.memory_space<vmem>>) dst(%dma_wait3A_194 : memref<512x64xf32, #tpu.memory_space<hbm>>)
      tpu.yield
    }) : () -> ()
    %mul3A_185 = arith.constant 512 : i32
    %mul3A_186 = arith.muli %add3A, %mul3A_185 : i32
    "tpu.region"() ({
      %run_scoped3A = tpu.sem_alloc : memref<!tpu.dma_semaphore, #tpu.memory_space<semaphore_mem>>
      %dma_start3A_187 = arith.constant 0 : i32
      %dma_start3A_188 = tpu.memref_slice %arg7[%mul3A_186, %dma_start3A_187] : memref<16384x64xf32, #tpu.memory_space<hbm>> -> memref<512x64xf32, #tpu.memory_space<hbm>>
      %dma_start3A_189 = arith.constant 0 : i32
      %dma_start3A_190 = tpu.memref_slice %arg7[%mul3A_186, %dma_start3A_189] : memref<16384x64xf32, #tpu.memory_space<hbm>> -> memref<512x64xf32, #tpu.memory_space<hbm>>
      tpu.enqueue_dma source(%arg11 : memref<512x64xf32, #tpu.memory_space<vmem>>) target(%dma_start3A_190 : memref<512x64xf32, #tpu.memory_space<hbm>>) target_semaphore(%run_scoped3A : memref<!tpu.dma_semaphore, #tpu.memory_space<semaphore_mem>>)
      %dma_wait3A_191 = arith.constant 0 : i32
      %dma_wait3A_192 = tpu.memref_slice %arg7[%mul3A_186, %dma_wait3A_191] : memref<16384x64xf32, #tpu.memory_space<hbm>> -> memref<512x64xf32, #tpu.memory_space<hbm>>
      %dma_wait3A_193 = arith.constant 0 : i32
      %dma_wait3A_194 = tpu.memref_slice %arg7[%mul3A_186, %dma_wait3A_193] : memref<16384x64xf32, #tpu.memory_space<hbm>> -> memref<512x64xf32, #tpu.memory_space<hbm>>
      tpu.wait_dma2 semaphore(%run_scoped3A : memref<!tpu.dma_semaphore, #tpu.memory_space<semaphore_mem>>) src(%arg11 : memref<512x64xf32, #tpu.memory_space<vmem>>) dst(%dma_wait3A_194 : memref<512x64xf32, #tpu.memory_space<hbm>>)
      tpu.yield
    }) : () -> ()
    return
  }
}

module attributes {stable_mosaic.version = 14 : i64} {
  func.func @_tc_body(%arg0: i32, %arg1: memref<2048x50xi32, #tpu.memory_space<vmem>>, %arg2: memref<2048x50xi32, #tpu.memory_space<vmem>>, %arg3: memref<2048x64xf32, #tpu.memory_space<vmem>>, %arg4: memref<2048x64xf32, #tpu.memory_space<vmem>>, %arg5: memref<64x64xf32, #tpu.memory_space<vmem>>, %arg6: memref<1x64xf32, #tpu.memory_space<vmem>>, %arg7: memref<64x64xf32, #tpu.memory_space<vmem>>, %arg8: memref<1x64xf32, #tpu.memory_space<vmem>>, %arg9: memref<2048x64xf32, #tpu.memory_space<vmem>>, %arg10: memref<2048x64xf32, #tpu.memory_space<vmem>>) attributes {dimension_semantics = [#tpu.dimension_semantics<arbitrary>], iteration_bounds = array<i64: 8>, scalar_prefetch = 0 : i64, scratch_operands = 0 : i64, tpu.core_type = #tpu.core_type<tc>, window_params = [{transform_indices = @transform_0, window_bounds = array<i64: 2048, 50>}, {transform_indices = @transform_1, window_bounds = array<i64: 2048, 50>}, {transform_indices = @transform_2, window_bounds = array<i64: 2048, 64>}, {transform_indices = @transform_3, window_bounds = array<i64: 2048, 64>}, {pipeline_mode = #tpu.pipeline_mode<synchronous>, transform_indices = @transform_4, window_bounds = array<i64: 64, 64>}, {pipeline_mode = #tpu.pipeline_mode<synchronous>, transform_indices = @transform_5, window_bounds = array<i64: 1, 64>}, {pipeline_mode = #tpu.pipeline_mode<synchronous>, transform_indices = @transform_6, window_bounds = array<i64: 64, 64>}, {pipeline_mode = #tpu.pipeline_mode<synchronous>, transform_indices = @transform_7, window_bounds = array<i64: 1, 64>}, {transform_indices = @transform_8, window_bounds = array<i64: 2048, 64>}, {transform_indices = @transform_9, window_bounds = array<i64: 2048, 64>}]} {
    %get3A = arith.constant 0 : index
    %get3A_0 = arith.constant 0 : index
    %get3A_1 = vector.load %arg1[%get3A, %get3A_0] : memref<2048x50xi32, #tpu.memory_space<vmem>>, vector<2048x50xi32>
    %ne3A = arith.constant 0 : i32
    %ne3A_2 = vector.broadcast %ne3A : i32 to vector<2048x50xi32>
    %ne3A_3 = arith.cmpi ne, %get3A_1, %ne3A_2 : vector<2048x50xi32>
    %convert_element_type3A = arith.extui %ne3A_3 : vector<2048x50xi1> to vector<2048x50xi32>
    %convert_element_type3A_4 = arith.sitofp %convert_element_type3A : vector<2048x50xi32> to vector<2048x50xf32>
    %reduce_sum3A = arith.constant dense<0.000000e+00> : vector<2048xf32>
    %reduce_sum3A_5 = vector.multi_reduction <add>, %convert_element_type3A_4, %reduce_sum3A [1] : vector<2048x50xf32> to vector<2048xf32>
    %broadcast_in_dim3A = vector.shape_cast %reduce_sum3A_5 : vector<2048xf32> to vector<2048x1xf32>
    %get3A_6 = arith.constant 0 : index
    %get3A_7 = arith.constant 0 : index
    %get3A_8 = vector.load %arg3[%get3A_6, %get3A_7] : memref<2048x64xf32, #tpu.memory_space<vmem>>, vector<2048x64xf32>
    %max3A = arith.constant 9.99999971E-10 : f32
    %max3A_9 = vector.broadcast %max3A : f32 to vector<2048x1xf32>
    %max3A_10 = arith.maximumf %broadcast_in_dim3A, %max3A_9 : vector<2048x1xf32>
    %div3A = vector.broadcast %max3A_10 : vector<2048x1xf32> to vector<2048x64xf32>
    %div3A_11 = arith.divf %get3A_8, %div3A : vector<2048x64xf32>
    %get3A_12 = arith.constant 0 : index
    %get3A_13 = arith.constant 0 : index
    %get3A_14 = vector.load %arg5[%get3A_12, %get3A_13] : memref<64x64xf32, #tpu.memory_space<vmem>>, vector<64x64xf32>
    %dot_general3A = arith.constant dense<0.000000e+00> : vector<2048x64xf32>
    %dot_general3A_15 = tpu.matmul %div3A_11, %get3A_14, %dot_general3A {dimension_numbers = #tpu.dot_dimension_numbers<[1], [0], [0], [1], [0, 0, 1, 1], [], []>, precision = #tpu.contract_precision<fp32>, transpose_lhs_hint = false} : vector<2048x64xf32>, vector<64x64xf32>, vector<2048x64xf32> -> vector<2048x64xf32>
    %get3A_16 = arith.constant 0 : index
    %get3A_17 = arith.constant 0 : index
    %get3A_18 = vector.load %arg6[%get3A_16, %get3A_17] : memref<1x64xf32, #tpu.memory_space<vmem>>, vector<1x64xf32>
    %add3A = vector.broadcast %get3A_18 : vector<1x64xf32> to vector<2048x64xf32>
    %add3A_19 = arith.addf %dot_general3A_15, %add3A : vector<2048x64xf32>
    %mul3A = arith.mulf %add3A_19, %add3A_19 : vector<2048x64xf32>
    %reduce_sum3A_20 = arith.constant dense<0.000000e+00> : vector<2048xf32>
    %reduce_sum3A_21 = vector.multi_reduction <add>, %mul3A, %reduce_sum3A_20 [1] : vector<2048x64xf32> to vector<2048xf32>
    %broadcast_in_dim3A_22 = vector.shape_cast %reduce_sum3A_21 : vector<2048xf32> to vector<2048x1xf32>
    %sqrt3A = math.sqrt %broadcast_in_dim3A_22 : vector<2048x1xf32>
    %max3A_23 = arith.constant 9.99999996E-13 : f32
    %max3A_24 = vector.broadcast %max3A_23 : f32 to vector<2048x1xf32>
    %max3A_25 = arith.maximumf %sqrt3A, %max3A_24 : vector<2048x1xf32>
    %div3A_26 = vector.broadcast %max3A_25 : vector<2048x1xf32> to vector<2048x64xf32>
    %div3A_27 = arith.divf %add3A_19, %div3A_26 : vector<2048x64xf32>
    %swap3A = arith.constant 0 : index
    %swap3A_28 = arith.constant 0 : index
    %swap3A_29 = vector.load %arg9[%swap3A, %swap3A_28] : memref<2048x64xf32, #tpu.memory_space<vmem>>, vector<2048x64xf32>
    tpu.vector_store %arg9[%swap3A, %swap3A_28], %div3A_27 {strides = array<i32>} : memref<2048x64xf32, #tpu.memory_space<vmem>>, vector<2048x64xf32>,
    %get3A_30 = arith.constant 0 : index
    %get3A_31 = arith.constant 0 : index
    %get3A_32 = vector.load %arg2[%get3A_30, %get3A_31] : memref<2048x50xi32, #tpu.memory_space<vmem>>, vector<2048x50xi32>
    %ne3A_33 = arith.constant 0 : i32
    %ne3A_34 = vector.broadcast %ne3A_33 : i32 to vector<2048x50xi32>
    %ne3A_35 = arith.cmpi ne, %get3A_32, %ne3A_34 : vector<2048x50xi32>
    %convert_element_type3A_36 = arith.extui %ne3A_35 : vector<2048x50xi1> to vector<2048x50xi32>
    %convert_element_type3A_37 = arith.sitofp %convert_element_type3A_36 : vector<2048x50xi32> to vector<2048x50xf32>
    %reduce_sum3A_38 = arith.constant dense<0.000000e+00> : vector<2048xf32>
    %reduce_sum3A_39 = vector.multi_reduction <add>, %convert_element_type3A_37, %reduce_sum3A_38 [1] : vector<2048x50xf32> to vector<2048xf32>
    %broadcast_in_dim3A_40 = vector.shape_cast %reduce_sum3A_39 : vector<2048xf32> to vector<2048x1xf32>
    %get3A_41 = arith.constant 0 : index
    %get3A_42 = arith.constant 0 : index
    %get3A_43 = vector.load %arg4[%get3A_41, %get3A_42] : memref<2048x64xf32, #tpu.memory_space<vmem>>, vector<2048x64xf32>
    %max3A_44 = arith.constant 9.99999971E-10 : f32
    %max3A_45 = vector.broadcast %max3A_44 : f32 to vector<2048x1xf32>
    %max3A_46 = arith.maximumf %broadcast_in_dim3A_40, %max3A_45 : vector<2048x1xf32>
    %div3A_47 = vector.broadcast %max3A_46 : vector<2048x1xf32> to vector<2048x64xf32>
    %div3A_48 = arith.divf %get3A_43, %div3A_47 : vector<2048x64xf32>
    %get3A_49 = arith.constant 0 : index
    %get3A_50 = arith.constant 0 : index
    %get3A_51 = vector.load %arg7[%get3A_49, %get3A_50] : memref<64x64xf32, #tpu.memory_space<vmem>>, vector<64x64xf32>
    %dot_general3A_52 = arith.constant dense<0.000000e+00> : vector<2048x64xf32>
    %dot_general3A_53 = tpu.matmul %div3A_48, %get3A_51, %dot_general3A_52 {dimension_numbers = #tpu.dot_dimension_numbers<[1], [0], [0], [1], [0, 0, 1, 1], [], []>, precision = #tpu.contract_precision<fp32>, transpose_lhs_hint = false} : vector<2048x64xf32>, vector<64x64xf32>, vector<2048x64xf32> -> vector<2048x64xf32>
    %get3A_54 = arith.constant 0 : index
    %get3A_55 = arith.constant 0 : index
    %get3A_56 = vector.load %arg8[%get3A_54, %get3A_55] : memref<1x64xf32, #tpu.memory_space<vmem>>, vector<1x64xf32>
    %add3A_57 = vector.broadcast %get3A_56 : vector<1x64xf32> to vector<2048x64xf32>
    %add3A_58 = arith.addf %dot_general3A_53, %add3A_57 : vector<2048x64xf32>
    %mul3A_59 = arith.mulf %add3A_58, %add3A_58 : vector<2048x64xf32>
    %reduce_sum3A_60 = arith.constant dense<0.000000e+00> : vector<2048xf32>
    %reduce_sum3A_61 = vector.multi_reduction <add>, %mul3A_59, %reduce_sum3A_60 [1] : vector<2048x64xf32> to vector<2048xf32>
    %broadcast_in_dim3A_62 = vector.shape_cast %reduce_sum3A_61 : vector<2048xf32> to vector<2048x1xf32>
    %sqrt3A_63 = math.sqrt %broadcast_in_dim3A_62 : vector<2048x1xf32>
    %max3A_64 = arith.constant 9.99999996E-13 : f32
    %max3A_65 = vector.broadcast %max3A_64 : f32 to vector<2048x1xf32>
    %max3A_66 = arith.maximumf %sqrt3A_63, %max3A_65 : vector<2048x1xf32>
    %div3A_67 = vector.broadcast %max3A_66 : vector<2048x1xf32> to vector<2048x64xf32>
    %div3A_68 = arith.divf %add3A_58, %div3A_67 : vector<2048x64xf32>
    %swap3A_69 = arith.constant 0 : index
    %swap3A_70 = arith.constant 0 : index
    %swap3A_71 = vector.load %arg10[%swap3A_69, %swap3A_70] : memref<2048x64xf32, #tpu.memory_space<vmem>>, vector<2048x64xf32>
    tpu.vector_store %arg10[%swap3A_69, %swap3A_70], %div3A_68 {strides = array<i32>} : memref<2048x64xf32, #tpu.memory_space<vmem>>, vector<2048x64xf32>,
    return
  }
  func.func @transform_0(%arg0: i32) -> (i32, i32) {
    %c0_i32 = arith.constant 0 : i32
    %c0_i32_0 = arith.constant 0 : i32
    return %arg0, %c0_i32 : i32, i32
  }
  func.func @transform_1(%arg0: i32) -> (i32, i32) {
    %c0_i32 = arith.constant 0 : i32
    %c0_i32_0 = arith.constant 0 : i32
    return %arg0, %c0_i32 : i32, i32
  }
  func.func @transform_2(%arg0: i32) -> (i32, i32) {
    %c0_i32 = arith.constant 0 : i32
    %c0_i32_0 = arith.constant 0 : i32
    return %arg0, %c0_i32 : i32, i32
  }
  func.func @transform_3(%arg0: i32) -> (i32, i32) {
    %c0_i32 = arith.constant 0 : i32
    %c0_i32_0 = arith.constant 0 : i32
    return %arg0, %c0_i32 : i32, i32
  }
  func.func @transform_4(%arg0: i32) -> (i32, i32) {
    %c0_i32 = arith.constant 0 : i32
    %c0_i32_0 = arith.constant 0 : i32
    %c0_i32_1 = arith.constant 0 : i32
    return %c0_i32, %c0_i32_0 : i32, i32
  }
  func.func @transform_5(%arg0: i32) -> (i32, i32) {
    %c0_i32 = arith.constant 0 : i32
    %c0_i32_0 = arith.constant 0 : i32
    %c0_i32_1 = arith.constant 0 : i32
    return %c0_i32, %c0_i32_0 : i32, i32
  }
  func.func @transform_6(%arg0: i32) -> (i32, i32) {
    %c0_i32 = arith.constant 0 : i32
    %c0_i32_0 = arith.constant 0 : i32
    %c0_i32_1 = arith.constant 0 : i32
    return %c0_i32, %c0_i32_0 : i32, i32
  }
  func.func @transform_7(%arg0: i32) -> (i32, i32) {
    %c0_i32 = arith.constant 0 : i32
    %c0_i32_0 = arith.constant 0 : i32
    %c0_i32_1 = arith.constant 0 : i32
    return %c0_i32, %c0_i32_0 : i32, i32
  }
  func.func @transform_8(%arg0: i32) -> (i32, i32) {
    %c0_i32 = arith.constant 0 : i32
    %c0_i32_0 = arith.constant 0 : i32
    return %arg0, %c0_i32 : i32, i32
  }
  func.func @transform_9(%arg0: i32) -> (i32, i32) {
    %c0_i32 = arith.constant 0 : i32
    %c0_i32_0 = arith.constant 0 : i32
    return %arg0, %c0_i32 : i32, i32
  }
}

</mosaic_0001>

<sc_bundles>
// kernel: kernel.4.cloned.1.call-start
scs
__scs_entry_jumppad:
0x0: {  	(pc) =	sbr.rel $0x88, $3  }
0x1: {  	(tag) =	ssettag $0x0;
	lr =	simm.s32 $0x1  }
0x2: {  	[smem:$0x3F99] =	sst lr;
	_ =	strace $0xD0000000  }
0x3: {  	_ = 	snop  }
0x4: {  	_ = 	snop  }
0x5: {  	_ = 	snop  }
0x6: {  	_ = 	snop  }
0x7: {  	_ = 	snop  }
__scs_overlays_trampoline_lowered:
0x8: {  	[smem:$0x3FA8] =	sst s0  }
0x9: {  	[smem:$0x3FA9] =	sst s1  }
0xa: {  	[smem:$0x3FAA] =	sst s2  }
0xb: {  	[smem:$0x3FAB] =	sst s3  }
0xc: {  	[smem:$0x3FAC] =	sst s4  }
0xd: {  	[smem:$0x3FAD] =	sst s5  }
0xe: {  	[smem:$0x3FAE] =	sst s6  }
0xf: {  	[smem:$0x3FAF] =	sst s7  }
0x10: {  	[smem:$0x3FB0] =	sst s8  }
0x11: {  	[smem:$0x3FB1] =	sst s9;
	s0 =	simm.s32 @!p0 $0x0  }
0x12: {  	s1 =	sld [smem:$0x3F97];
	s0 =	simm.s32 @p0 $0x1  }
0x13: {  	[smem:$0x3FB2] =	sst s0;
	s0 =	simm.s32 @!p1 $0x0  }
0x14: {  	s2 =	sld [smem:$0x3F96];
	s0 =	simm.s32 @p1 $0x1  }
0x15: {  	[smem:$0x3FB3] =	sst s0;
	s0 =	simm.s32 @!p2 $0x0  }
0x16: {  	s3 =	sld [smem:$0x3FDB];
	s0 =	simm.s32 @p2 $0x1  }
0x17: {  	s4 =	simm.s32 $0x1BF5;
	[smem:$0x3FB5] =	sst s0  }
0x18: {  	s0 =	sld [smem:$0x3F98];
	_ =	swait.ge [sflag:s4], $0x0  }
0x19: {  	s7 =	sld [smem:$0x3F99]  }
0x1a: {  	s8 =	sadd.s32 $0xFFFFE003, lr  }
0x1b: {  	s9 =	sadd.s32 $0xFFFFFEF7, lr;
	s5 =	simm.s32 $0xFFFFFFFF;
	p2 =	slt.u32 s8, $0xFFFFF086  }
0x1c: {  	p1 =	slt.u32 s9, $0xF7A;
	s5 =	simm.s32 @!p2 $0x0  }
0x1d: {  	s5 =	simm.s32 @p1 $0x1;
	p0 =	seq.s32 s7, s2  }
0x1e: {  	s7 =	smul.u32 @!p0 $0xF7A, s2;
	p2 =	seq.s32 @!p0 s5, $0x0  }
0x1f: {  	s9 =	smul.u32 $0xF7A, s1;
	s8 =	simm.s32 @!p0 $0x1BF5;
	p2 =	por !p2, p0  }
0x20: {  	[sflag:s8] =	ssyncset.s32 @!p0 $0xFFFFF086;
	s6 =	sadd.s32 @!p0 s3, s7;
	s7 =	simm.s32 @!p0 $0x108  }
0x21: {  	s3 =	sadd.s32 s3, s9;
	s6 =	sadd.s32 @!p0 $0x88, s6;
	s7 =	simm.s32 @p2 $0x1082  }
0x22: {  	[simem:s7], [sflag:s8] =	dma.local @!p0 [hbm:s6], $0xF7A  }
0x23: {  	s9 =	sor.u32 $0xD0000000, s2;
	s6 =	simm.s32 $0x108;
	_ =	swait.ge @!p0 [sflag:s8], $0x0  }
0x24: {  	s3 =	sadd.s32 $0x88, s3;
	s6 =	simm.s32 @!p1 $0x1082;
	[sflag:s4] =	ssyncset.s32 $0xFFFFF086  }
0x25: {  	[simem:s6], [sflag:s4] =	dma.local [hbm:s3], $0xF7A  }
0x26: {  	[smem:$0x3F99] =	sst s1;
	(tag) =	ssettag s2;
	_ =	strace s9  }
0x27: {  	s1 =	sld [smem:$0x3FA9]  }
0x28: {  	s2 =	sld [smem:$0x3FAA]  }
0x29: {  	s4 =	sld [smem:$0x3FAC]  }
0x2a: {  	p0 =	seq.s32 s5, $0x0;
	s5 =	sld [smem:$0x3FAD]  }
0x2b: {  	s6 =	sld [smem:$0x3FAE]  }
0x2c: {  	s7 =	sld [smem:$0x3FAF]  }
0x2d: {  	s3 =	simm.s32 $0x108;
	s8 =	sld [smem:$0x3FB0]  }
0x2e: {  	s3 =	simm.s32 @!p0 $0x1082;
	s9 =	sld [smem:$0x3FB1]  }
0x2f: {  	lr =	sadd.s32 s0, s3;
	s0 =	sld [smem:$0x3FA8]  }
0x30: {  	s3 =	sld [smem:$0x3FAB]  }
0x31: {  	[smem:$0x3FB4] =	sst s10  }
0x32: {  	s10 =	sld [smem:$0x3FB2];
	_ =	sdelay $0x3  }
0x33: {  	p0 =	seq.s32 s10, $0x1;
	s10 =	sld [smem:$0x3FB4];
	_ =	sdelay $0x3  }
0x34: {  	[smem:$0x3FB4] =	sst s10  }
0x35: {  	s10 =	sld [smem:$0x3FB3];
	_ =	sdelay $0x3  }
0x36: {  	p1 =	seq.s32 s10, $0x1;
	s10 =	sld [smem:$0x3FB4];
	_ =	sdelay $0x3  }
0x37: {  	[smem:$0x3FB4] =	sst s10  }
0x38: {  	s10 =	sld [smem:$0x3FB5]  }
0x39: {  	_ = 	snop;
	(pc) =	sbr.ind lr, $3  }
0x3a: {  	_ = 	snop  }
0x3b: {  	_ = 	snop  }
0x3c: {  	p2 =	seq.s32 s10, $0x1;
	s10 =	sld [smem:$0x3FB4]  }
0x3d: {  	_ =	shalt  }
0x3e: {  	_ =	shalt  }
0x3f: {  	_ =	shalt  }
0x40: {  	_ =	shalt  }
0x41: {  	_ =	shalt  }
0x42: {  	_ =	shalt  }
0x43: {  	_ =	shalt  }
0x44: {  	_ =	shalt  }
0x45: {  	_ =	shalt  }
0x46: {  	_ =	shalt  }
0x47: {  	_ =	shalt  }
0x48: {  	_ =	shalt  }
0x49: {  	_ =	shalt  }
0x4a: {  	_ =	shalt  }
0x4b: {  	_ =	shalt  }
0x4c: {  	_ =	shalt  }
0x4d: {  	_ =	shalt  }
0x4e: {  	_ =	shalt  }
0x4f: {  	_ =	shalt  }
0x50: {  	_ =	shalt  }
0x51: {  	_ =	shalt  }
0x52: {  	_ =	shalt  }
0x53: {  	_ =	shalt  }
0x54: {  	_ =	shalt  }
0x55: {  	_ =	shalt  }
0x56: {  	_ =	shalt  }
0x57: {  	_ =	shalt  }
0x58: {  	_ =	shalt  }
0x59: {  	_ =	shalt  }
0x5a: {  	_ =	shalt  }
0x5b: {  	_ =	shalt  }
0x5c: {  	_ =	shalt  }
0x5d: {  	_ =	shalt  }
0x5e: {  	_ =	shalt  }
0x5f: {  	_ =	shalt  }
0x60: {  	_ =	shalt  }
0x61: {  	_ =	shalt  }
0x62: {  	_ =	shalt  }
0x63: {  	_ =	shalt  }
0x64: {  	_ =	shalt  }
0x65: {  	_ =	shalt  }
0x66: {  	_ =	shalt  }
0x67: {  	_ =	shalt  }
0x68: {  	_ =	shalt  }
0x69: {  	_ =	shalt  }
0x6a: {  	_ =	shalt  }
0x6b: {  	_ =	shalt  }
0x6c: {  	_ =	shalt  }
0x6d: {  	_ =	shalt  }
0x6e: {  	_ =	shalt  }
0x6f: {  	_ =	shalt  }
0x70: {  	_ =	shalt  }
0x71: {  	_ =	shalt  }
0x72: {  	_ =	shalt  }
0x73: {  	_ =	shalt  }
0x74: {  	_ =	shalt  }
0x75: {  	_ =	shalt  }
0x76: {  	_ =	shalt  }
0x77: {  	_ =	shalt  }
0x78: {  	_ =	shalt  }
0x79: {  	_ =	shalt  }
0x7a: {  	_ =	shalt  }
0x7b: {  	_ =	shalt  }
0x7c: {  	_ =	shalt  }
0x7d: {  	_ =	shalt  }
0x7e: {  	_ =	shalt  }
0x7f: {  	_ =	shalt  }
0x80: {  	_ =	shalt  }
0x81: {  	_ =	shalt  }
0x82: {  	_ =	shalt  }
0x83: {  	_ =	shalt  }
0x84: {  	_ =	shalt  }
0x85: {  	_ =	shalt  }
0x86: {  	_ =	shalt  }
0x87: {  	_ =	shalt  }
.Lfunc_end0:
.L_simem_size_0:
called_computation_lowered:
.L_overlay_start_0:
0x88: {  	s2 =	sld [smem:$0x3FD9]  }
0x89: {  	s3 =	sld [smem:$0x3FFE];
	_ =	sdelay $0x1  }
0x8a: {  	s1 =	srdreg.scid  }
0x8b: {  	s0 =	sand.u32 $0x1, s1  }
0x8c: {  	s14 =	sshll.u32 s0, $0xA;
	s2 =	sadd.s32 s3, s2  }
0x8d: {  	s2 =	sadd.s32 s2, s14  }
0x8e: {  	[smem:$0x3FC0] =	sst s2  }
0x8f: {  	_ = 	snop  }
0x90: {  	s2 =	sld [smem:$0x3FD0];
	_ =	sdelay $0x2  }
0x91: {  	s15 =	simm.s32 $0xA;
	s4 =	simm.s32 $0x10  }
0x92: {  	[smem:s4], [sflag:s15] =	dma.local [hbm:s2], $0x1  }
0x93: {  	_ =	swait.eq [sflag:s15], $0x1  }
0x94: {  	[sflag:s15] =	ssyncset.done $0x0  }
0x95: {  	s16 =	sld [smem:$0x10];
	[sflag:s15] =	ssyncadd.s32 $0xFFFFFFFF  }
0x96: {  	s17 =	sld [smem:$0x11];
	(tm) =	ssettm $0x1  }
0x97: {  	s18 =	sld [smem:$0x3FFB];
	_ =	sdelay $0x3  }
0x98: {  	_ =	strace s18  }
0x99: {  	s4 =	sld [smem:$0x3FFC];
	_ =	sdelay $0x3  }
0x9a: {  	_ =	strace s4  }
0x9b: {  	s4 =	sld [smem:$0x3FFD];
	_ =	sdelay $0x3  }
0x9c: {  	_ =	strace s4  }
0x9d: {  	_ =	strace $0x8FFFFFFF  }
0x9e: {  	s19 =	sld [smem:$0x3FDB];
	_ =	sdelay $0x1  }
0x9f: {  	s5 =	simm.s32 $_scs_section_size  }
0xa0: {  	s6 =	simm.s32 $_size__tile_overlayer_lowered;
	s7 =	simm.s32 $_tile_overlayer_lowered  }
0xa1: {  	s22 =	simm.s32 $0x1BFF;
	s21 =	sshll.u32 s7, $0x1;
	s4 =	sadd.s32 s5, s19  }
0xa2: {  	s8 =	simm.s32 $0x0;
	s20 =	sshll.u32 s6, $0x1;
	s6 =	sadd.s32 s21, s4  }
0xa3: {  	[timem:s8], [sflag:s22] =	dma.local [hbm:s6], s20  }
0xa4: {  	_ =	swait.ge [sflag:s22], s20  }
0xa5: {  	s5 =	ssub.s32 $0x0, s20;
	[sflag:s22] =	ssyncset.done $0x0  }
0xa6: {  	[sflag:s22] =	ssyncadd.s32 s5;
	_ =	sdelay $0x1  }
0xa7: {  	s23 =	simm.s32 $0x1B8B  }
0xa8: {  	_ =	swait.ge [sflag:s23], $0x1  }
0xa9: {  	[sflag:s23] =	ssyncset.done $0x0  }
0xaa: {  	s25 =	simm.s32 $0x1B8E;
	s24 =	sld [smem:$0x3FFE];
	[sflag:s23] =	ssyncadd.s32 $0xFFFFFFFF  }
0xab: {  	s26 =	simm.s32 $execute0_lowered;
	[smem:$0x3FD2] =	sst s25  }
0xac: {  	s6 =	sshll.u32 s26, $0x1;
	_ =	strace $0x80000046;
	[dreg:$0x1] =	wrdreg $0xFFFFFFFF  }
0xad: {  	s28 =	simm.s32 $_size_execute0_lowered;
	s4 =	sadd.s32 s4, s6;
	[dreg:$0x0] =	wrdreg $0x0  }
0xae: {  	s6 =	sshll.u32 s28, $0x1;
	[dreg:$0x2] =	wrdreg s4  }
0xaf: {  	[dreg:$0x3] =	wrdreg s6  }
0xb0: {  	[dreg:$0x4] =	wrdreg $0xC0  }
0xb1: {  	_ =	task [dreg:s8], $0x5FFFF  }
0xb2: {  	[dreg:$0x1] =	wrdreg $0xFFFFFFFF  }
0xb3: {  	[dreg:$0x0] =	wrdreg $0x60  }
0xb4: {  	[dreg:$0x2] =	wrdreg s24  }
0xb5: {  	[dreg:$0x3] =	wrdreg s17  }
0xb6: {  	[dreg:$0x4] =	wrdreg s16  }
0xb7: {  	[dreg:$0x5] =	wrdreg $0x9  }
0xb8: {  	_ =	task.clear_ibuf [dreg:s8], $0x6FFFF;
	_ =	strace $0x90000046  }
0xb9: {  	s29 =	simm.s32 $0x9;
	_ =	strace $0x80000048  }
0xba: {  	_ =	swait.ge [sflag:s29], $0x1  }
0xbb: {  	[sflag:s29] =	ssyncadd.s32 $0xFFFFFFFF  }
0xbc: {  	_ =	strace $0x90000048  }
0xbd: {  	_ =	sfence  }
0xbe: {  	s30 =	sld [smem:$0x0];
	_ =	sdelay $0x2  }
0xbf: {  	s31 =	sshll.u32 s1, $0xD;
	s1 =	sshrl.u32 s1, $0x2  }
0xc0: {  	s3 =	sand.u32 $0x4000, s31;
	s1 =	sadd.s32 s1, s30  }
0xc1: {  	s0 =	sor.u32 s3, s0;
	s1 =	sshll.u32 s1, $0x11  }
0xc2: {  	s0 =	sor.u32 s1, s0  }
0xc3: {  	s0 =	sadd.s32 $0x8F2B, s0  }
0xc4: {  	[sflag:s0] =	ssyncadd.remote.s32 $0x1  }
0xc5: {  	_ =	sfence.sel $0xFFFF  }
0xc6: {  	[dreg:$0x0] =	wrdreg $0xFFFFFFFF;
	(pc) =	sbr.abs _section_cstart, $3  }
0xc7: {  	[dreg:$0x1] =	wrdreg $0xFFFFFFFF  }
0xc8: {  	_ =	task.clear_ibuf [dreg:s8], $0x2FFFF;
	_ =	strace $0x9FFFFFFF  }
0xc9: {  	(tm) =	ssettm $0x7FFFFFFF  }
tec
execute0_lowered:
.L_overlay_start_1:
0x0: {  	(tag) =	ssettag $0x1  }
0x1: {  	s0 =	rddreg [dreg:$0x0]  }
0x2: {  	s1 =	rddreg [dreg:$0x1];
	s2 =	srdreg.scid  }
0x3: {  	s4 =	stileid.u32;
	s8 =	rddreg [dreg:$0x2]  }
0x4: {  	s10 =	simm.s32 $0x200;
	s11 =	simm.s32 $0x4000;
	s12 =	simm.s32 $0x3  }
0x5: {  	s13 =	simm.s32 $0x6400;
	s14 =	simm.s32 $0x80;
	s15 =	simm.s32 $0xC800  }
0x6: {  	s16 =	simm.s32 $0xE800;
	s18 =	simm.s32 $0x10800;
	s19 =	simm.s32 $0x180  }
0x7: {  	s20 =	simm.s32 $0x12800;
	s21 =	simm.s32 $0x14800;
	s22 =	simm.s32 $0x6480  }
0x8: {  	s23 =	simm.s32 $0x16800;
	s24 =	simm.s32 $0x6500;
	s28 =	simm.s32 $0x1A800  }
0x9: {  	s29 =	simm.s32 $0x1;
	s30 =	simm.s32 $0x2;
	s31 =	simm.s32 $0x0  }
0xa: {  	s3 =	sand.u32 $0x1, s2;
	s4 =	sshll.u32 s4, $0x1;
	s2 =	simm.s32 $0x0  }
0xb: {  	s7 =	sor.u32 s3, s4;
	[smem:$0x7FF] =	sst s2;
	s5 =	ssub.s32 $0x2, s3  }
0xc: {  	s3 =	sadd.s32 $0x16E5200, s0;
	s4 =	sshll.u32 s7, $0x6;
	_ =	strace $0x80000047  }
0xd: {  	s9 =	sshrl.u32 s5, $0x1;
	s26 =	sshll.u32 s7, $0xC;
	s6 =	sadd.s32 s4, s0  }
0xe: {  	s4 =	sadd.s32 $0xF44000, s0;
	s25 =	ssub.s32 s5, s9;
	s7 =	sadd.s32 s1, s26  }
0xf: {  	s8 =	sadd.s32 s8, s26;
	s26 =	simm.s32 $0x6580;
	s5 =	sadd.s32 $0x1AC00, s6  }
0x10: {  	s6 =	sadd.s32 $0x1C00, s6;
	s9 =	smax.u32 s25, $0x1;
	s25 =	simm.s32 $0x18800  }
.LBB2_1:
0x11: {  	[tilespmem:s2], [sflag:$0x3] =	stream.strided.gather [hbm4b:s5+s10], $0x6400, s11, s10, $0x38;
	[tilespmem:$0x1C800] =	vst v63  }
0x12: {  	_ =	swait.ge [sflag:s12], $0x6400  }
0x13: {  	[sflag:s12] =	ssyncset.done $0x0  }
0x14: {  	[sflag:s12] =	ssyncadd.s32 $0xFFFF9C00  }
0x15: {  	[tilespmem:s13], [sflag:$0x3] =	stream.strided.gather [hbm4b:s6+s10], $0x6400, s11, s10, $0x38;
	[tilespmem:$0x1C800] =	vst v63  }
0x16: {  	_ =	swait.ge [sflag:s12], $0x6400  }
0x17: {  	[sflag:s12] =	ssyncset.done $0x0  }
0x18: {  	[sflag:s12] =	ssyncadd.s32 $0xFFFF9C00  }
0x19: {  	[tilespmem:s15], [sflag:$0x1] =	stream.indirect.gather [hbm4b:s3+s14], $0x40, s2, s14, $0xb8;
	[tilespmem:$0x1C800] =	vst v63  }
0x1a: {  	_ = 	snop  }
0x1b: {  	[tilespmem:s16], [sflag:$0x1] =	stream.indirect.gather [hbm4b:s3+s14], $0x40, s14, s14, $0xb8;
	[tilespmem:$0x1C800] =	vst v63  }
0x1c: {  	s0 =	simm.s32 $0x100  }
0x1d: {  	[tilespmem:s18], [sflag:$0x1] =	stream.indirect.gather [hbm4b:s3+s14], $0x40, s0, s14, $0xb8;
	[tilespmem:$0x1C800] =	vst v63  }
0x1e: {  	_ = 	snop  }
0x1f: {  	[tilespmem:s20], [sflag:$0x1] =	stream.indirect.gather [hbm4b:s3+s14], $0x40, s19, s14, $0xb8;
	[tilespmem:$0x1C800] =	vst v63  }
0x20: {  	_ = 	snop  }
0x21: {  	[tilespmem:s21], [sflag:$0x2] =	stream.indirect.gather [hbm4b:s4+s14], $0x40, s13, s14, $0xb8;
	[tilespmem:$0x1C800] =	vst v63  }
0x22: {  	_ = 	snop  }
0x23: {  	[tilespmem:s23], [sflag:$0x2] =	stream.indirect.gather [hbm4b:s4+s14], $0x40, s22, s14, $0xb8;
	[tilespmem:$0x1C800] =	vst v63  }
0x24: {  	_ = 	snop  }
0x25: {  	[tilespmem:s25], [sflag:$0x2] =	stream.indirect.gather [hbm4b:s4+s14], $0x40, s24, s14, $0xb8;
	[tilespmem:$0x1C800] =	vst v63  }
0x26: {  	_ = 	snop  }
0x27: {  	[tilespmem:s28], [sflag:$0x2] =	stream.indirect.gather [hbm4b:s4+s14], $0x40, s26, s14, $0xb8;
	[tilespmem:$0x1C800] =	vst v63  }
0x28: {  	_ =	swait.ge [sflag:s29], $0x2000  }
0x29: {  	[sflag:s29] =	ssyncset.done $0x0  }
0x2a: {  	[sflag:s29] =	ssyncadd.s32 $0xFFFFE000  }
0x2b: {  	_ =	swait.ge [sflag:s29], $0x2000  }
0x2c: {  	[sflag:s29] =	ssyncset.done $0x0  }
0x2d: {  	[sflag:s29] =	ssyncadd.s32 $0xFFFFE000  }
0x2e: {  	_ =	swait.ge [sflag:s29], $0x2000  }
0x2f: {  	[sflag:s29] =	ssyncset.done $0x0  }
0x30: {  	[sflag:s29] =	ssyncadd.s32 $0xFFFFE000  }
0x31: {  	_ =	swait.ge [sflag:s29], $0x2000  }
0x32: {  	[sflag:s29] =	ssyncset.done $0x0  }
0x33: {  	s17 =	simm.s32 $0x200;
	[sflag:s29] =	ssyncadd.s32 $0xFFFFE000  }
0x34: {  	[tilespmem:s15], [sflag:$0x1] =	stream.indirect.gather.add.f32 [hbm:s3], $0x40, s17, s14, $0xb8;
	[tilespmem:$0x1C800] =	vst v63  }
0x35: {  	s1 =	simm.s32 $0x280  }
0x36: {  	[tilespmem:s16], [sflag:$0x1] =	stream.indirect.gather.add.f32 [hbm:s3], $0x40, s1, s14, $0xb8;
	[tilespmem:$0x1C800] =	vst v63  }
0x37: {  	s17 =	simm.s32 $0x300  }
0x38: {  	[tilespmem:s18], [sflag:$0x1] =	stream.indirect.gather.add.f32 [hbm:s3], $0x40, s17, s14, $0xb8;
	[tilespmem:$0x1C800] =	vst v63  }
0x39: {  	s1 =	simm.s32 $0x380  }
0x3a: {  	[tilespmem:s20], [sflag:$0x1] =	stream.indirect.gather.add.f32 [hbm:s3], $0x40, s1, s14, $0xb8;
	[tilespmem:$0x1C800] =	vst v63  }
0x3b: {  	_ =	swait.ge [sflag:s30], $0x2000  }
0x3c: {  	[sflag:s30] =	ssyncset.done $0x0  }
0x3d: {  	[sflag:s30] =	ssyncadd.s32 $0xFFFFE000  }
0x3e: {  	_ =	swait.ge [sflag:s30], $0x2000  }
0x3f: {  	[sflag:s30] =	ssyncset.done $0x0  }
0x40: {  	[sflag:s30] =	ssyncadd.s32 $0xFFFFE000  }
0x41: {  	_ =	swait.ge [sflag:s30], $0x2000  }
0x42: {  	[sflag:s30] =	ssyncset.done $0x0  }
0x43: {  	[sflag:s30] =	ssyncadd.s32 $0xFFFFE000  }
0x44: {  	_ =	swait.ge [sflag:s30], $0x2000  }
0x45: {  	[sflag:s30] =	ssyncset.done $0x0  }
0x46: {  	s17 =	simm.s32 $0x6600;
	[sflag:s30] =	ssyncadd.s32 $0xFFFFE000  }
0x47: {  	[tilespmem:s21], [sflag:$0x2] =	stream.indirect.gather.add.f32 [hbm:s4], $0x40, s17, s14, $0xb8;
	[tilespmem:$0x1C800] =	vst v63  }
0x48: {  	s1 =	simm.s32 $0x6680  }
0x49: {  	[tilespmem:s23], [sflag:$0x2] =	stream.indirect.gather.add.f32 [hbm:s4], $0x40, s1, s14, $0xb8;
	[tilespmem:$0x1C800] =	vst v63  }
0x4a: {  	s0 =	simm.s32 $0x6780;
	s17 =	simm.s32 $0x6700;
	s1 =	simm.s32 $0x800  }
0x4b: {  	[tilespmem:s25], [sflag:$0x2] =	stream.indirect.gather.add.f32 [hbm:s4], $0x40, s17, s14, $0xb8;
	[tilespmem:$0x1C800] =	vst v63  }
.LBB2_2:
0x4c: {  	[tilespmem:s28], [sflag:$0x2] =	stream.indirect.gather.add.f32 [hbm:s4], $0x40, s0, s14, $0xb8;
	[tilespmem:$0x1C800] =	vst v63  }
0x4d: {  	s0 =	smov.u32 s1  }
0x4e: {  	p0 =	sne.s32 s1, $0x18000;
	s1 =	sadd.s32 $0x800, s1;
	_ =	swait.ge [sflag:s29], $0x2000  }
0x4f: {  	[sflag:s29] =	ssyncset.done $0x0  }
0x50: {  	[sflag:s29] =	ssyncadd.s32 $0xFFFFE000  }
0x51: {  	_ =	swait.ge [sflag:s29], $0x2000  }
0x52: {  	[sflag:s29] =	ssyncset.done $0x0  }
0x53: {  	[sflag:s29] =	ssyncadd.s32 $0xFFFFE000  }
0x54: {  	_ =	swait.ge [sflag:s29], $0x2000  }
0x55: {  	[sflag:s29] =	ssyncset.done $0x0  }
0x56: {  	[sflag:s29] =	ssyncadd.s32 $0xFFFFE000  }
0x57: {  	_ =	swait.ge [sflag:s29], $0x2000  }
0x58: {  	s0 =	sshra.s32 s0, $0x2;
	[sflag:s29] =	ssyncset.done $0x0  }
0x59: {  	s17 =	sadd.s32 $0x200, s0;
	[sflag:s29] =	ssyncadd.s32 $0xFFFFE000  }
0x5a: {  	[tilespmem:s15], [sflag:$0x1] =	stream.indirect.gather.add.f32 [hbm:s3], $0x40, s17, s14, $0xb8;
	[tilespmem:$0x1C800] =	vst v63  }
0x5b: {  	s17 =	sadd.s32 $0x280, s0  }
0x5c: {  	[tilespmem:s16], [sflag:$0x1] =	stream.indirect.gather.add.f32 [hbm:s3], $0x40, s17, s14, $0xb8;
	[tilespmem:$0x1C800] =	vst v63  }
0x5d: {  	s17 =	sadd.s32 $0x300, s0  }
0x5e: {  	[tilespmem:s18], [sflag:$0x1] =	stream.indirect.gather.add.f32 [hbm:s3], $0x40, s17, s14, $0xb8;
	[tilespmem:$0x1C800] =	vst v63  }
0x5f: {  	s17 =	sadd.s32 $0x380, s0  }
0x60: {  	[tilespmem:s20], [sflag:$0x1] =	stream.indirect.gather.add.f32 [hbm:s3], $0x40, s17, s14, $0xb8;
	[tilespmem:$0x1C800] =	vst v63  }
0x61: {  	_ =	swait.ge [sflag:s30], $0x2000  }
0x62: {  	[sflag:s30] =	ssyncset.done $0x0  }
0x63: {  	[sflag:s30] =	ssyncadd.s32 $0xFFFFE000  }
0x64: {  	_ =	swait.ge [sflag:s30], $0x2000  }
0x65: {  	[sflag:s30] =	ssyncset.done $0x0  }
0x66: {  	[sflag:s30] =	ssyncadd.s32 $0xFFFFE000  }
0x67: {  	_ =	swait.ge [sflag:s30], $0x2000  }
0x68: {  	[sflag:s30] =	ssyncset.done $0x0  }
0x69: {  	[sflag:s30] =	ssyncadd.s32 $0xFFFFE000  }
0x6a: {  	_ =	swait.ge [sflag:s30], $0x2000  }
0x6b: {  	[sflag:s30] =	ssyncset.done $0x0  }
0x6c: {  	s17 =	sadd.s32 $0x6600, s0;
	[sflag:s30] =	ssyncadd.s32 $0xFFFFE000  }
0x6d: {  	[tilespmem:s21], [sflag:$0x2] =	stream.indirect.gather.add.f32 [hbm:s4], $0x40, s17, s14, $0xb8;
	[tilespmem:$0x1C800] =	vst v63  }
.Ltmp0:
0x6e: {  	s17 =	sadd.s32 $0x6680, s0;
	(pc) =	sbr.rel @p0 .LBB2_2-.Ltmp0, $4  }
0x6f: {  	[tilespmem:s23], [sflag:$0x2] =	stream.indirect.gather.add.f32 [hbm:s4], $0x40, s17, s14, $0xb8;
	[tilespmem:$0x1C800] =	vst v63  }
0x70: {  	s17 =	sadd.s32 $0x6700, s0  }
0x71: {  	[tilespmem:s25], [sflag:$0x2] =	stream.indirect.gather.add.f32 [hbm:s4], $0x40, s17, s14, $0xb8;
	[tilespmem:$0x1C800] =	vst v63  }
0x72: {  	s0 =	sadd.s32 $0x6780, s0  }
0x73: {  	[tilespmem:s28], [sflag:$0x2] =	stream.indirect.gather.add.f32 [hbm:s4], $0x40, s0, s14, $0xb8;
	[tilespmem:$0x1C800] =	vst v63  }
0x74: {  	_ =	swait.ge [sflag:s29], $0x2000  }
0x75: {  	[sflag:s29] =	ssyncset.done $0x0  }
0x76: {  	[sflag:s29] =	ssyncadd.s32 $0xFFFFE000  }
0x77: {  	_ =	swait.ge [sflag:s29], $0x2000  }
0x78: {  	[sflag:s29] =	ssyncset.done $0x0  }
0x79: {  	[sflag:s29] =	ssyncadd.s32 $0xFFFFE000  }
0x7a: {  	_ =	swait.ge [sflag:s29], $0x2000  }
0x7b: {  	[sflag:s29] =	ssyncset.done $0x0  }
0x7c: {  	[sflag:s29] =	ssyncadd.s32 $0xFFFFE000  }
0x7d: {  	_ =	swait.ge [sflag:s29], $0x2000  }
0x7e: {  	[sflag:s29] =	ssyncset.done $0x0  }
0x7f: {  	[sflag:s29] =	ssyncadd.s32 $0xFFFFE000  }
0x80: {  	_ =	swait.ge [sflag:s30], $0x2000  }
0x81: {  	[sflag:s30] =	ssyncset.done $0x0  }
0x82: {  	[sflag:s30] =	ssyncadd.s32 $0xFFFFE000  }
0x83: {  	_ =	swait.ge [sflag:s30], $0x2000  }
0x84: {  	[sflag:s30] =	ssyncset.done $0x0  }
0x85: {  	[sflag:s30] =	ssyncadd.s32 $0xFFFFE000  }
0x86: {  	_ =	swait.ge [sflag:s30], $0x2000  }
0x87: {  	[sflag:s30] =	ssyncset.done $0x0  }
0x88: {  	[sflag:s30] =	ssyncadd.s32 $0xFFFFE000  }
0x89: {  	_ =	swait.ge [sflag:s30], $0x2000  }
0x8a: {  	[sflag:s30] =	ssyncset.done $0x0  }
0x8b: {  	[sflag:s30] =	ssyncadd.s32 $0xFFFFE000  }
0x8c: {  	[hbm4b:s7+s2] =	stream.linear.scatter [tilespmem:s15], [sflag:$0x3], $0x8000, $0x38;
	[tilespmem:$0x1C800] =	vst v63  }
0x8d: {  	s31 =	sadd.s32 $0x1, s31;
	_ =	swait.ge [sflag:s12], $0x8000  }
0x8e: {  	p0 =	sne.s32 s31, s9;
	[sflag:s12] =	ssyncset.done $0x0  }
.Ltmp1:
0x8f: {  	[sflag:s12] =	ssyncadd.s32 $0xFFFF8000;
	(pc) =	sbr.rel @p0 .LBB2_1-.Ltmp1, $4  }
0x90: {  	[hbm4b:s8+s2] =	stream.linear.scatter [tilespmem:s21], [sflag:$0x3], $0x8000, $0x38;
	[tilespmem:$0x1C800] =	vst v63  }
0x91: {  	_ =	swait.ge [sflag:s12], $0x8000  }
0x92: {  	[sflag:s12] =	ssyncset.done $0x0  }
0x93: {  	[sflag:s12] =	ssyncadd.s32 $0xFFFF8000  }
0x94: {  	_ =	sfence.sel $0x180000  }
0x95: {  	[bflag:$0x0] =	sbarrier.arrive $0xFFFF  }
0x96: {  	_ =	strace $0x90000047  }
0x97: {  	s0 =	stileid.u32;
	[bflag:$0x2] =	sbarrier.arrive $0xFFFF  }
0x98: {  	p0 =	sne.s32 s0, $0x0;
	s0 =	rddreg [dreg:$0x3]  }
0x99: {  	s0 =	sadd.s32 @!p0 $0x100000, s0  }
0x9a: {  	[sflag:s0] =	ssyncadd.tile.s32 @!p0 $0x1;
	_ =	shalt  }
.Lfunc_end2:
_tile_overlayer_lowered:
.L_overlay_start_2:
0x9b: {  	(tag) =	ssettag $0x2  }
0x9c: {  	s0 =	rddreg [dreg:$0x0];
	s2 =	stileid.u32  }
0x9d: {  	s1 =	rddreg [dreg:$0x1];
	p0 =	sne.s32 s2, $0x0  }
0x9e: {  	s3 =	rddreg [dreg:$0x2];
	[bflag:$0x3] =	sbarrier.arrive $0xFFFF;
	s2 =	simm.s32 @!p0 $0x1C03  }
0x9f: {  	[timem:s3], [sflag:s2] =	dma.local @!p0 [hbm:s0], s1  }
0xa0: {  	s0 =	simm.s32 @!p0 $0x3  }
0xa1: {  	_ =	swait.ge @!p0 [sflag:s0], s1  }
0xa2: {  	s1 =	ssub.s32 @!p0 $0x0, s1;
	[sflag:s0] =	ssyncset.done @!p0 $0x0  }
0xa3: {  	[sflag:s0] =	ssyncadd.s32 @!p0 s1  }
0xa4: {  	[bflag:$0x3] =	sbarrier.arrive $0xFFFF  }
0xa5: {  	_ =	shalt  }

</sc_bundles>
